<compile_context>
chip_gen: v7x
topology: tpu7x:2x2x1
jax: 0.10.2.dev20260603
libtpu: 0.0.44.dev20260713+nightly
codegen_flags: <defaults>
</compile_context>

<pallas_src>
import functools

import jax
import jax.numpy as jnp
from jax import lax
from jax.experimental import pallas as pl
from jax.experimental.pallas import tpu as pltpu
from jax.experimental.pallas import tpu_sc as plsc

B = 32
N = 64
D = 256
P = 4096

NC = 2
NS = 16
NW = NC * NS

C = 128
NCHUNK = P // C

_MESH = plsc.VectorSubcoreMesh(core_axis_name="c", subcore_axis_name="s")


@functools.partial(
    pl.kernel,
    mesh=_MESH,
    out_type=jax.ShapeDtypeStruct((B, P, 2 * D), jnp.float32),
    scratch_types=[
        pltpu.VMEM((NCHUNK, C), jnp.int32),
        pltpu.VMEM((C, D), jnp.float32),
        pltpu.VMEM((C, D), jnp.float32),
        pltpu.SemaphoreType.DMA,
        pltpu.SemaphoreType.DMA,
    ],
)
def _pair_gather(table_hbm, i_hbm, j_hbm, out_hbm, idx_v, rows0, rows1,
                 gsem0, gsem1):
    w = lax.axis_index("s") * NC + lax.axis_index("c")
    base = w * N
    bufs = ((rows0, gsem0), (rows1, gsem1))

    for half, sel_hbm in ((0, i_hbm), (1, j_hbm)):
        pltpu.sync_copy(sel_hbm, idx_v)

        def prep_body(ci, carry):
            for t in range(C // 16):
                sl = pl.ds(t * 16, 16)
                idx_v[ci, sl] = idx_v[ci, sl] + base
            return carry

        lax.fori_loop(0, NCHUNK, prep_body, 0)

        for b, (rows, gsem) in enumerate(bufs):
            pltpu.async_copy(table_hbm.at[idx_v.at[b]], rows, gsem)

        def chunk_body(g, carry, half=half):
            for b, (rows, gsem) in enumerate(bufs):
                ci = 2 * g + b
                pltpu.make_async_copy(
                    table_hbm.at[idx_v.at[ci]], rows, gsem).wait()
                pltpu.sync_copy(
                    rows,
                    out_hbm.at[w, pl.ds(ci * C, C), pl.ds(half * D, D)],
                )
                nci = ci + 2

                @pl.when(nci < NCHUNK)
                def _():
                    pltpu.async_copy(table_hbm.at[idx_v.at[nci]], rows, gsem)
            return carry

        lax.fori_loop(0, NCHUNK // 2, chunk_body, 0)


def kernel(x, i, j):
    table = x.reshape(B * N, D)
    i2 = i.reshape(NCHUNK, C)
    j2 = j.reshape(NCHUNK, C)
    return _pair_gather(table, i2, j2)

# --- scband reference (transcript-rebuilt; emitter-appended) ---
"""Pipeline reference for scband-default-pairwise-relation-network-start-hook-20074677141792 (READ-ONLY COPY).

The authoritative reference and input builder live on the scoring server;
editing this copy changes nothing except your own understanding.
"""

import jax, jax.numpy as jnp
import numpy as np


def setup_inputs(seed: int = 0) -> dict:
    key = jax.random.key(seed)
    k1, k2, k3 = jax.random.split(key, 3)
    x = jax.random.normal(k1, (32, 64, 256), dtype=jnp.float32)
    i = jax.random.randint(k2, (4096,), 0, 64, dtype=jnp.int32)
    j = jax.random.randint(k3, (4096,), 0, 64, dtype=jnp.int32)
    return {"x": x, "i": i, "j": j}


def reference(x, i, j):
    # x: [B, N, d]; i, j: [P] index lists into the object axis (dim 1)
    x_i = jnp.take(x, i, axis=1)  # [B, P, d]
    x_j = jnp.take(x, j, axis=1)  # [B, P, d]
    x_ij = jnp.concatenate([x_i, x_j], axis=-1)  # [B, P, 2d]
    return x_ij

if __name__ == "__main__":
    import jax
    _d = setup_inputs()
    print(jax.jit(kernel)(*tuple(_d.values())))

</pallas_src>

<mosaic_0001>
#map = affine_map<(d0, d1) -> (0, 0)>
#map1 = affine_map<(d0, d1) -> (0, 0, 0)>
module attributes {stable_mosaic.version = 14 : i64} {
  func.func @_pair_gather(%arg0: i32, %arg1: i32, %arg2: memref<2048x256xf32, #tpu.memory_space<hbm>>, %arg3: memref<32x128xi32, #tpu.memory_space<hbm>>, %arg4: memref<32x128xi32, #tpu.memory_space<hbm>>, %arg5: memref<32x4096x512xf32, #tpu.memory_space<hbm>>, %arg6: memref<32x128xi32, #tpu.memory_space<vmem>>, %arg7: memref<128x256xf32, #tpu.memory_space<vmem>>, %arg8: memref<128x256xf32, #tpu.memory_space<vmem>>, %arg9: memref<!tpu.dma_semaphore, #tpu.memory_space<semaphore_mem>>, %arg10: memref<!tpu.dma_semaphore, #tpu.memory_space<semaphore_mem>>) attributes {dimension_semantics = [#tpu.dimension_semantics<core_parallel>, #tpu.dimension_semantics<subcore_parallel>], iteration_bounds = array<i64: 2, 16>, scalar_prefetch = 0 : i64, scratch_operands = 5 : i64, tpu.core_type = #tpu.core_type<sc_vector_subcore>, window_params = [{transform_indices = #map}, {transform_indices = #map}, {transform_indices = #map}, {transform_indices = #map1}]} {
    %mul3A = arith.constant 2 : i32
    %mul3A_0 = arith.muli %arg1, %mul3A : i32
    %add3A = arith.addi %mul3A_0, %arg0 : i32
    %mul3A_1 = arith.constant 64 : i32
    %mul3A_2 = arith.muli %add3A, %mul3A_1 : i32
    "tpu.region"() ({
      %run_scoped3A = tpu.sem_alloc : memref<!tpu.dma_semaphore, #tpu.memory_space<semaphore_mem>>
      tpu.enqueue_dma source(%arg3 : memref<32x128xi32, #tpu.memory_space<hbm>>) target(%arg6 : memref<32x128xi32, #tpu.memory_space<vmem>>) target_semaphore(%run_scoped3A : memref<!tpu.dma_semaphore, #tpu.memory_space<semaphore_mem>>)
      tpu.wait_dma2 semaphore(%run_scoped3A : memref<!tpu.dma_semaphore, #tpu.memory_space<semaphore_mem>>) src(%arg3 : memref<32x128xi32, #tpu.memory_space<hbm>>) dst(%arg6 : memref<32x128xi32, #tpu.memory_space<vmem>>)
      tpu.yield
    }) : () -> ()
    %scan3A = arith.constant 0 : i32
    %scan3A_3 = arith.constant 0 : i32
    %scan3A_4 = arith.constant 32 : i32
    %scan3A_5 = arith.addi %scan3A_3, %scan3A_4 : i32
    %scan3A_6 = arith.constant 1 : i32
    scf.for %scan3A_53 = %scan3A_3 to %scan3A_5 step %scan3A_6  : i32 {
      %get3A = arith.index_cast %scan3A_53 : i32 to index
      %get3A_54 = arith.constant 0 : index
      %get3A_55 = tpu.vector_load %arg6[%get3A, %get3A_54] {strides = array<i32>} : memref<32x128xi32, #tpu.memory_space<vmem>>, vector<1x16xi32>,
      %get3A_56 = vector.shape_cast %get3A_55 : vector<1x16xi32> to vector<16xi32>
      %add3A_57 = vector.broadcast %mul3A_2 : i32 to vector<16xi32>
      %add3A_58 = arith.addi %get3A_56, %add3A_57 : vector<16xi32>
      %swap3A = arith.index_cast %scan3A_53 : i32 to index
      %swap3A_59 = arith.constant 0 : index
      %swap3A_60 = tpu.vector_load %arg6[%swap3A, %swap3A_59] {strides = array<i32>} : memref<32x128xi32, #tpu.memory_space<vmem>>, vector<1x16xi32>,
      %swap3A_61 = vector.shape_cast %swap3A_60 : vector<1x16xi32> to vector<16xi32>
      %swap3A_62 = vector.shape_cast %add3A_58 : vector<16xi32> to vector<1x16xi32>
      tpu.vector_store %arg6[%swap3A, %swap3A_59], %swap3A_62 {strides = array<i32>} : memref<32x128xi32, #tpu.memory_space<vmem>>, vector<1x16xi32>,
      %get3A_63 = arith.index_cast %scan3A_53 : i32 to index
      %get3A_64 = arith.constant 16 : index
      %get3A_65 = tpu.vector_load %arg6[%get3A_63, %get3A_64] {strides = array<i32>} : memref<32x128xi32, #tpu.memory_space<vmem>>, vector<1x16xi32>,
      %get3A_66 = vector.shape_cast %get3A_65 : vector<1x16xi32> to vector<16xi32>
      %add3A_67 = vector.broadcast %mul3A_2 : i32 to vector<16xi32>
      %add3A_68 = arith.addi %get3A_66, %add3A_67 : vector<16xi32>
      %swap3A_69 = arith.index_cast %scan3A_53 : i32 to index
      %swap3A_70 = arith.constant 16 : index
      %swap3A_71 = tpu.vector_load %arg6[%swap3A_69, %swap3A_70] {strides = array<i32>} : memref<32x128xi32, #tpu.memory_space<vmem>>, vector<1x16xi32>,
      %swap3A_72 = vector.shape_cast %swap3A_71 : vector<1x16xi32> to vector<16xi32>
      %swap3A_73 = vector.shape_cast %add3A_68 : vector<16xi32> to vector<1x16xi32>
      tpu.vector_store %arg6[%swap3A_69, %swap3A_70], %swap3A_73 {strides = array<i32>} : memref<32x128xi32, #tpu.memory_space<vmem>>, vector<1x16xi32>,
      %get3A_74 = arith.index_cast %scan3A_53 : i32 to index
      %get3A_75 = arith.constant 32 : index
      %get3A_76 = tpu.vector_load %arg6[%get3A_74, %get3A_75] {strides = array<i32>} : memref<32x128xi32, #tpu.memory_space<vmem>>, vector<1x16xi32>,
      %get3A_77 = vector.shape_cast %get3A_76 : vector<1x16xi32> to vector<16xi32>
      %add3A_78 = vector.broadcast %mul3A_2 : i32 to vector<16xi32>
      %add3A_79 = arith.addi %get3A_77, %add3A_78 : vector<16xi32>
      %swap3A_80 = arith.index_cast %scan3A_53 : i32 to index
      %swap3A_81 = arith.constant 32 : index
      %swap3A_82 = tpu.vector_load %arg6[%swap3A_80, %swap3A_81] {strides = array<i32>} : memref<32x128xi32, #tpu.memory_space<vmem>>, vector<1x16xi32>,
      %swap3A_83 = vector.shape_cast %swap3A_82 : vector<1x16xi32> to vector<16xi32>
      %swap3A_84 = vector.shape_cast %add3A_79 : vector<16xi32> to vector<1x16xi32>
      tpu.vector_store %arg6[%swap3A_80, %swap3A_81], %swap3A_84 {strides = array<i32>} : memref<32x128xi32, #tpu.memory_space<vmem>>, vector<1x16xi32>,
      %get3A_85 = arith.index_cast %scan3A_53 : i32 to index
      %get3A_86 = arith.constant 48 : index
      %get3A_87 = tpu.vector_load %arg6[%get3A_85, %get3A_86] {strides = array<i32>} : memref<32x128xi32, #tpu.memory_space<vmem>>, vector<1x16xi32>,
      %get3A_88 = vector.shape_cast %get3A_87 : vector<1x16xi32> to vector<16xi32>
      %add3A_89 = vector.broadcast %mul3A_2 : i32 to vector<16xi32>
      %add3A_90 = arith.addi %get3A_88, %add3A_89 : vector<16xi32>
      %swap3A_91 = arith.index_cast %scan3A_53 : i32 to index
      %swap3A_92 = arith.constant 48 : index
      %swap3A_93 = tpu.vector_load %arg6[%swap3A_91, %swap3A_92] {strides = array<i32>} : memref<32x128xi32, #tpu.memory_space<vmem>>, vector<1x16xi32>,
      %swap3A_94 = vector.shape_cast %swap3A_93 : vector<1x16xi32> to vector<16xi32>
      %swap3A_95 = vector.shape_cast %add3A_90 : vector<16xi32> to vector<1x16xi32>
      tpu.vector_store %arg6[%swap3A_91, %swap3A_92], %swap3A_95 {strides = array<i32>} : memref<32x128xi32, #tpu.memory_space<vmem>>, vector<1x16xi32>,
      %get3A_96 = arith.index_cast %scan3A_53 : i32 to index
      %get3A_97 = arith.constant 64 : index
      %get3A_98 = tpu.vector_load %arg6[%get3A_96, %get3A_97] {strides = array<i32>} : memref<32x128xi32, #tpu.memory_space<vmem>>, vector<1x16xi32>,
      %get3A_99 = vector.shape_cast %get3A_98 : vector<1x16xi32> to vector<16xi32>
      %add3A_100 = vector.broadcast %mul3A_2 : i32 to vector<16xi32>
      %add3A_101 = arith.addi %get3A_99, %add3A_100 : vector<16xi32>
      %swap3A_102 = arith.index_cast %scan3A_53 : i32 to index
      %swap3A_103 = arith.constant 64 : index
      %swap3A_104 = tpu.vector_load %arg6[%swap3A_102, %swap3A_103] {strides = array<i32>} : memref<32x128xi32, #tpu.memory_space<vmem>>, vector<1x16xi32>,
      %swap3A_105 = vector.shape_cast %swap3A_104 : vector<1x16xi32> to vector<16xi32>
      %swap3A_106 = vector.shape_cast %add3A_101 : vector<16xi32> to vector<1x16xi32>
      tpu.vector_store %arg6[%swap3A_102, %swap3A_103], %swap3A_106 {strides = array<i32>} : memref<32x128xi32, #tpu.memory_space<vmem>>, vector<1x16xi32>,
      %get3A_107 = arith.index_cast %scan3A_53 : i32 to index
      %get3A_108 = arith.constant 80 : index
      %get3A_109 = tpu.vector_load %arg6[%get3A_107, %get3A_108] {strides = array<i32>} : memref<32x128xi32, #tpu.memory_space<vmem>>, vector<1x16xi32>,
      %get3A_110 = vector.shape_cast %get3A_109 : vector<1x16xi32> to vector<16xi32>
      %add3A_111 = vector.broadcast %mul3A_2 : i32 to vector<16xi32>
      %add3A_112 = arith.addi %get3A_110, %add3A_111 : vector<16xi32>
      %swap3A_113 = arith.index_cast %scan3A_53 : i32 to index
      %swap3A_114 = arith.constant 80 : index
      %swap3A_115 = tpu.vector_load %arg6[%swap3A_113, %swap3A_114] {strides = array<i32>} : memref<32x128xi32, #tpu.memory_space<vmem>>, vector<1x16xi32>,
      %swap3A_116 = vector.shape_cast %swap3A_115 : vector<1x16xi32> to vector<16xi32>
      %swap3A_117 = vector.shape_cast %add3A_112 : vector<16xi32> to vector<1x16xi32>
      tpu.vector_store %arg6[%swap3A_113, %swap3A_114], %swap3A_117 {strides = array<i32>} : memref<32x128xi32, #tpu.memory_space<vmem>>, vector<1x16xi32>,
      %get3A_118 = arith.index_cast %scan3A_53 : i32 to index
      %get3A_119 = arith.constant 96 : index
      %get3A_120 = tpu.vector_load %arg6[%get3A_118, %get3A_119] {strides = array<i32>} : memref<32x128xi32, #tpu.memory_space<vmem>>, vector<1x16xi32>,
      %get3A_121 = vector.shape_cast %get3A_120 : vector<1x16xi32> to vector<16xi32>
      %add3A_122 = vector.broadcast %mul3A_2 : i32 to vector<16xi32>
      %add3A_123 = arith.addi %get3A_121, %add3A_122 : vector<16xi32>
      %swap3A_124 = arith.index_cast %scan3A_53 : i32 to index
      %swap3A_125 = arith.constant 96 : index
      %swap3A_126 = tpu.vector_load %arg6[%swap3A_124, %swap3A_125] {strides = array<i32>} : memref<32x128xi32, #tpu.memory_space<vmem>>, vector<1x16xi32>,
      %swap3A_127 = vector.shape_cast %swap3A_126 : vector<1x16xi32> to vector<16xi32>
      %swap3A_128 = vector.shape_cast %add3A_123 : vector<16xi32> to vector<1x16xi32>
      tpu.vector_store %arg6[%swap3A_124, %swap3A_125], %swap3A_128 {strides = array<i32>} : memref<32x128xi32, #tpu.memory_space<vmem>>, vector<1x16xi32>,
      %get3A_129 = arith.index_cast %scan3A_53 : i32 to index
      %get3A_130 = arith.constant 112 : index
      %get3A_131 = tpu.vector_load %arg6[%get3A_129, %get3A_130] {strides = array<i32>} : memref<32x128xi32, #tpu.memory_space<vmem>>, vector<1x16xi32>,
      %get3A_132 = vector.shape_cast %get3A_131 : vector<1x16xi32> to vector<16xi32>
      %add3A_133 = vector.broadcast %mul3A_2 : i32 to vector<16xi32>
      %add3A_134 = arith.addi %get3A_132, %add3A_133 : vector<16xi32>
      %swap3A_135 = arith.index_cast %scan3A_53 : i32 to index
      %swap3A_136 = arith.constant 112 : index
      %swap3A_137 = tpu.vector_load %arg6[%swap3A_135, %swap3A_136] {strides = array<i32>} : memref<32x128xi32, #tpu.memory_space<vmem>>, vector<1x16xi32>,
      %swap3A_138 = vector.shape_cast %swap3A_137 : vector<1x16xi32> to vector<16xi32>
      %swap3A_139 = vector.shape_cast %add3A_134 : vector<16xi32> to vector<1x16xi32>
      tpu.vector_store %arg6[%swap3A_135, %swap3A_136], %swap3A_139 {strides = array<i32>} : memref<32x128xi32, #tpu.memory_space<vmem>>, vector<1x16xi32>,
    }
    %scan3A_7 = arith.constant 32 : i32
    %dma_start3A = arith.constant 0 : i32
    %dma_start3A_8 = arith.constant 0 : i32
    %dma_start3A_9 = tpu.memref_slice %arg6[%dma_start3A, %dma_start3A_8] : memref<32x128xi32, #tpu.memory_space<vmem>> -> memref<1x128xi32, #tpu.memory_space<vmem>>
    %dma_start3A_10 = tpu.memref_squeeze %dma_start3A_9 : memref<1x128xi32, #tpu.memory_space<vmem>> -> memref<128xi32, #tpu.memory_space<vmem>>
    %dma_start3A_11 = arith.constant 0 : i32
    %dma_start3A_12 = arith.constant 0 : i32
    %dma_start3A_13 = tpu.memref_slice %arg2[%dma_start3A_11, %dma_start3A_12] : memref<2048x256xf32, #tpu.memory_space<hbm>> -> memref<2048x256xf32, #tpu.memory_space<hbm>>
    tpu.enqueue_indirect_dma source(%dma_start3A_13 : memref<2048x256xf32, #tpu.memory_space<hbm>>) target(%arg7 : memref<128x256xf32, #tpu.memory_space<vmem>>) offsets(%dma_start3A_10 : memref<128xi32, #tpu.memory_space<vmem>>) semaphore(%arg9 : memref<!tpu.dma_semaphore, #tpu.memory_space<semaphore_mem>>)
    %dma_start3A_14 = arith.constant 1 : i32
    %dma_start3A_15 = arith.constant 0 : i32
    %dma_start3A_16 = tpu.memref_slice %arg6[%dma_start3A_14, %dma_start3A_15] : memref<32x128xi32, #tpu.memory_space<vmem>> -> memref<1x128xi32, #tpu.memory_space<vmem>>
    %dma_start3A_17 = tpu.memref_squeeze %dma_start3A_16 : memref<1x128xi32, #tpu.memory_space<vmem>> -> memref<128xi32, #tpu.memory_space<vmem>>
    %dma_start3A_18 = arith.constant 0 : i32
    %dma_start3A_19 = arith.constant 0 : i32
    %dma_start3A_20 = tpu.memref_slice %arg2[%dma_start3A_18, %dma_start3A_19] : memref<2048x256xf32, #tpu.memory_space<hbm>> -> memref<2048x256xf32, #tpu.memory_space<hbm>>
    tpu.enqueue_indirect_dma source(%dma_start3A_20 : memref<2048x256xf32, #tpu.memory_space<hbm>>) target(%arg8 : memref<128x256xf32, #tpu.memory_space<vmem>>) offsets(%dma_start3A_17 : memref<128xi32, #tpu.memory_space<vmem>>) semaphore(%arg10 : memref<!tpu.dma_semaphore, #tpu.memory_space<semaphore_mem>>)
    %scan3A_21 = arith.constant 0 : i32
    %scan3A_22 = arith.constant 0 : i32
    %scan3A_23 = arith.constant 16 : i32
    %scan3A_24 = arith.addi %scan3A_22, %scan3A_23 : i32
    %scan3A_25 = arith.constant 1 : i32
    scf.for %scan3A_53 = %scan3A_22 to %scan3A_24 step %scan3A_25  : i32 {
      %mul3A_54 = arith.constant 2 : i32
      %mul3A_55 = arith.muli %mul3A_54, %scan3A_53 : i32
      %add3A_56 = arith.constant 0 : i32
      %add3A_57 = arith.addi %mul3A_55, %add3A_56 : i32
      %dma_wait3A = arith.constant 0 : i32
      %dma_wait3A_58 = tpu.memref_slice %arg6[%add3A_57, %dma_wait3A] : memref<32x128xi32, #tpu.memory_space<vmem>> -> memref<1x128xi32, #tpu.memory_space<vmem>>
      %dma_wait3A_59 = tpu.memref_squeeze %dma_wait3A_58 : memref<1x128xi32, #tpu.memory_space<vmem>> -> memref<128xi32, #tpu.memory_space<vmem>>
      %dma_wait3A_60 = arith.constant 0 : i32
      %dma_wait3A_61 = arith.constant 0 : i32
      %dma_wait3A_62 = tpu.memref_slice %arg2[%dma_wait3A_60, %dma_wait3A_61] : memref<2048x256xf32, #tpu.memory_space<hbm>> -> memref<2048x256xf32, #tpu.memory_space<hbm>>
      tpu.wait_indirect_dma semaphore(%arg9 : memref<!tpu.dma_semaphore, #tpu.memory_space<semaphore_mem>>) src(%dma_wait3A_62 : memref<2048x256xf32, #tpu.memory_space<hbm>>) dst(%arg7 : memref<128x256xf32, #tpu.memory_space<vmem>>)
      %mul3A_63 = arith.constant 128 : i32
      %mul3A_64 = arith.muli %add3A_57, %mul3A_63 : i32
      "tpu.region"() ({
        %run_scoped3A = tpu.sem_alloc : memref<!tpu.dma_semaphore, #tpu.memory_space<semaphore_mem>>
        %dma_start3A_88 = arith.constant 0 : i32
        %dma_start3A_89 = tpu.memref_slice %arg5[%add3A, %mul3A_64, %dma_start3A_88] : memref<32x4096x512xf32, #tpu.memory_space<hbm>> -> memref<1x128x256xf32, #tpu.memory_space<hbm>>
        %dma_start3A_90 = tpu.memref_squeeze %dma_start3A_89 : memref<1x128x256xf32, #tpu.memory_space<hbm>> -> memref<128x256xf32, #tpu.memory_space<hbm>>
        %dma_start3A_91 = arith.constant 0 : i32
        %dma_start3A_92 = tpu.memref_slice %arg5[%add3A, %mul3A_64, %dma_start3A_91] : memref<32x4096x512xf32, #tpu.memory_space<hbm>> -> memref<1x128x256xf32, #tpu.memory_space<hbm>>
        %dma_start3A_93 = tpu.memref_squeeze %dma_start3A_92 : memref<1x128x256xf32, #tpu.memory_space<hbm>> -> memref<128x256xf32, #tpu.memory_space<hbm>>
        tpu.enqueue_dma source(%arg7 : memref<128x256xf32, #tpu.memory_space<vmem>>) target(%dma_start3A_93 : memref<128x256xf32, #tpu.memory_space<hbm>>) target_semaphore(%run_scoped3A : memref<!tpu.dma_semaphore, #tpu.memory_space<semaphore_mem>>)
        %dma_wait3A_94 = arith.constant 0 : i32
        %dma_wait3A_95 = tpu.memref_slice %arg5[%add3A, %mul3A_64, %dma_wait3A_94] : memref<32x4096x512xf32, #tpu.memory_space<hbm>> -> memref<1x128x256xf32, #tpu.memory_space<hbm>>
        %dma_wait3A_96 = tpu.memref_squeeze %dma_wait3A_95 : memref<1x128x256xf32, #tpu.memory_space<hbm>> -> memref<128x256xf32, #tpu.memory_space<hbm>>
        %dma_wait3A_97 = arith.constant 0 : i32
        %dma_wait3A_98 = tpu.memref_slice %arg5[%add3A, %mul3A_64, %dma_wait3A_97] : memref<32x4096x512xf32, #tpu.memory_space<hbm>> -> memref<1x128x256xf32, #tpu.memory_space<hbm>>
        %dma_wait3A_99 = tpu.memref_squeeze %dma_wait3A_98 : memref<1x128x256xf32, #tpu.memory_space<hbm>> -> memref<128x256xf32, #tpu.memory_space<hbm>>
        tpu.wait_dma2 semaphore(%run_scoped3A : memref<!tpu.dma_semaphore, #tpu.memory_space<semaphore_mem>>) src(%arg7 : memref<128x256xf32, #tpu.memory_space<vmem>>) dst(%dma_wait3A_99 : memref<128x256xf32, #tpu.memory_space<hbm>>)
        tpu.yield
      }) : () -> ()
      %add3A_65 = arith.constant 2 : i32
      %add3A_66 = arith.addi %add3A_57, %add3A_65 : i32
      %lt3A = arith.constant 32 : i32
      %lt3A_67 = arith.cmpi slt, %add3A_66, %lt3A : i32
      %convert_element_type3A = arith.extui %lt3A_67 : i1 to i32
      %cond3A = arith.constant 0 : i32
      %cond3A_68 = arith.cmpi ne, %convert_element_type3A, %cond3A : i32
      scf.if %cond3A_68 {
        %dma_start3A_88 = arith.constant 0 : i32
        %dma_start3A_89 = tpu.memref_slice %arg6[%add3A_66, %dma_start3A_88] : memref<32x128xi32, #tpu.memory_space<vmem>> -> memref<1x128xi32, #tpu.memory_space<vmem>>
        %dma_start3A_90 = tpu.memref_squeeze %dma_start3A_89 : memref<1x128xi32, #tpu.memory_space<vmem>> -> memref<128xi32, #tpu.memory_space<vmem>>
        %dma_start3A_91 = arith.constant 0 : i32
        %dma_start3A_92 = arith.constant 0 : i32
        %dma_start3A_93 = tpu.memref_slice %arg2[%dma_start3A_91, %dma_start3A_92] : memref<2048x256xf32, #tpu.memory_space<hbm>> -> memref<2048x256xf32, #tpu.memory_space<hbm>>
        tpu.enqueue_indirect_dma source(%dma_start3A_93 : memref<2048x256xf32, #tpu.memory_space<hbm>>) target(%arg7 : memref<128x256xf32, #tpu.memory_space<vmem>>) offsets(%dma_start3A_90 : memref<128xi32, #tpu.memory_space<vmem>>) semaphore(%arg9 : memref<!tpu.dma_semaphore, #tpu.memory_space<semaphore_mem>>)
      } else {
      }
      %mul3A_69 = arith.constant 2 : i32
      %mul3A_70 = arith.muli %mul3A_69, %scan3A_53 : i32
      %add3A_71 = arith.constant 1 : i32
      %add3A_72 = arith.addi %mul3A_70, %add3A_71 : i32
      %dma_wait3A_73 = arith.constant 0 : i32
      %dma_wait3A_74 = tpu.memref_slice %arg6[%add3A_72, %dma_wait3A_73] : memref<32x128xi32, #tpu.memory_space<vmem>> -> memref<1x128xi32, #tpu.memory_space<vmem>>
      %dma_wait3A_75 = tpu.memref_squeeze %dma_wait3A_74 : memref<1x128xi32, #tpu.memory_space<vmem>> -> memref<128xi32, #tpu.memory_space<vmem>>
      %dma_wait3A_76 = arith.constant 0 : i32
      %dma_wait3A_77 = arith.constant 0 : i32
      %dma_wait3A_78 = tpu.memref_slice %arg2[%dma_wait3A_76, %dma_wait3A_77] : memref<2048x256xf32, #tpu.memory_space<hbm>> -> memref<2048x256xf32, #tpu.memory_space<hbm>>
      tpu.wait_indirect_dma semaphore(%arg10 : memref<!tpu.dma_semaphore, #tpu.memory_space<semaphore_mem>>) src(%dma_wait3A_78 : memref<2048x256xf32, #tpu.memory_space<hbm>>) dst(%arg8 : memref<128x256xf32, #tpu.memory_space<vmem>>)
      %mul3A_79 = arith.constant 128 : i32
      %mul3A_80 = arith.muli %add3A_72, %mul3A_79 : i32
      "tpu.region"() ({
        %run_scoped3A = tpu.sem_alloc : memref<!tpu.dma_semaphore, #tpu.memory_space<semaphore_mem>>
        %dma_start3A_88 = arith.constant 0 : i32
        %dma_start3A_89 = tpu.memref_slice %arg5[%add3A, %mul3A_80, %dma_start3A_88] : memref<32x4096x512xf32, #tpu.memory_space<hbm>> -> memref<1x128x256xf32, #tpu.memory_space<hbm>>
        %dma_start3A_90 = tpu.memref_squeeze %dma_start3A_89 : memref<1x128x256xf32, #tpu.memory_space<hbm>> -> memref<128x256xf32, #tpu.memory_space<hbm>>
        %dma_start3A_91 = arith.constant 0 : i32
        %dma_start3A_92 = tpu.memref_slice %arg5[%add3A, %mul3A_80, %dma_start3A_91] : memref<32x4096x512xf32, #tpu.memory_space<hbm>> -> memref<1x128x256xf32, #tpu.memory_space<hbm>>
        %dma_start3A_93 = tpu.memref_squeeze %dma_start3A_92 : memref<1x128x256xf32, #tpu.memory_space<hbm>> -> memref<128x256xf32, #tpu.memory_space<hbm>>
        tpu.enqueue_dma source(%arg8 : memref<128x256xf32, #tpu.memory_space<vmem>>) target(%dma_start3A_93 : memref<128x256xf32, #tpu.memory_space<hbm>>) target_semaphore(%run_scoped3A : memref<!tpu.dma_semaphore, #tpu.memory_space<semaphore_mem>>)
        %dma_wait3A_94 = arith.constant 0 : i32
        %dma_wait3A_95 = tpu.memref_slice %arg5[%add3A, %mul3A_80, %dma_wait3A_94] : memref<32x4096x512xf32, #tpu.memory_space<hbm>> -> memref<1x128x256xf32, #tpu.memory_space<hbm>>
        %dma_wait3A_96 = tpu.memref_squeeze %dma_wait3A_95 : memref<1x128x256xf32, #tpu.memory_space<hbm>> -> memref<128x256xf32, #tpu.memory_space<hbm>>
        %dma_wait3A_97 = arith.constant 0 : i32
        %dma_wait3A_98 = tpu.memref_slice %arg5[%add3A, %mul3A_80, %dma_wait3A_97] : memref<32x4096x512xf32, #tpu.memory_space<hbm>> -> memref<1x128x256xf32, #tpu.memory_space<hbm>>
        %dma_wait3A_99 = tpu.memref_squeeze %dma_wait3A_98 : memref<1x128x256xf32, #tpu.memory_space<hbm>> -> memref<128x256xf32, #tpu.memory_space<hbm>>
        tpu.wait_dma2 semaphore(%run_scoped3A : memref<!tpu.dma_semaphore, #tpu.memory_space<semaphore_mem>>) src(%arg8 : memref<128x256xf32, #tpu.memory_space<vmem>>) dst(%dma_wait3A_99 : memref<128x256xf32, #tpu.memory_space<hbm>>)
        tpu.yield
      }) : () -> ()
      %add3A_81 = arith.constant 2 : i32
      %add3A_82 = arith.addi %add3A_72, %add3A_81 : i32
      %lt3A_83 = arith.constant 32 : i32
      %lt3A_84 = arith.cmpi slt, %add3A_82, %lt3A_83 : i32
      %convert_element_type3A_85 = arith.extui %lt3A_84 : i1 to i32
      %cond3A_86 = arith.constant 0 : i32
      %cond3A_87 = arith.cmpi ne, %convert_element_type3A_85, %cond3A_86 : i32
      scf.if %cond3A_87 {
        %dma_start3A_88 = arith.constant 0 : i32
        %dma_start3A_89 = tpu.memref_slice %arg6[%add3A_82, %dma_start3A_88] : memref<32x128xi32, #tpu.memory_space<vmem>> -> memref<1x128xi32, #tpu.memory_space<vmem>>
        %dma_start3A_90 = tpu.memref_squeeze %dma_start3A_89 : memref<1x128xi32, #tpu.memory_space<vmem>> -> memref<128xi32, #tpu.memory_space<vmem>>
        %dma_start3A_91 = arith.constant 0 : i32
        %dma_start3A_92 = arith.constant 0 : i32
        %dma_start3A_93 = tpu.memref_slice %arg2[%dma_start3A_91, %dma_start3A_92] : memref<2048x256xf32, #tpu.memory_space<hbm>> -> memref<2048x256xf32, #tpu.memory_space<hbm>>
        tpu.enqueue_indirect_dma source(%dma_start3A_93 : memref<2048x256xf32, #tpu.memory_space<hbm>>) target(%arg8 : memref<128x256xf32, #tpu.memory_space<vmem>>) offsets(%dma_start3A_90 : memref<128xi32, #tpu.memory_space<vmem>>) semaphore(%arg10 : memref<!tpu.dma_semaphore, #tpu.memory_space<semaphore_mem>>)
      } else {
      }
    }
    %scan3A_26 = arith.constant 16 : i32
    "tpu.region"() ({
      %run_scoped3A = tpu.sem_alloc : memref<!tpu.dma_semaphore, #tpu.memory_space<semaphore_mem>>
      tpu.enqueue_dma source(%arg4 : memref<32x128xi32, #tpu.memory_space<hbm>>) target(%arg6 : memref<32x128xi32, #tpu.memory_space<vmem>>) target_semaphore(%run_scoped3A : memref<!tpu.dma_semaphore, #tpu.memory_space<semaphore_mem>>)
      tpu.wait_dma2 semaphore(%run_scoped3A : memref<!tpu.dma_semaphore, #tpu.memory_space<semaphore_mem>>) src(%arg4 : memref<32x128xi32, #tpu.memory_space<hbm>>) dst(%arg6 : memref<32x128xi32, #tpu.memory_space<vmem>>)
      tpu.yield
    }) : () -> ()
    %scan3A_27 = arith.constant 0 : i32
    %scan3A_28 = arith.constant 0 : i32
    %scan3A_29 = arith.constant 32 : i32
    %scan3A_30 = arith.addi %scan3A_28, %scan3A_29 : i32
    %scan3A_31 = arith.constant 1 : i32
    scf.for %scan3A_53 = %scan3A_28 to %scan3A_30 step %scan3A_31  : i32 {
      %get3A = arith.index_cast %scan3A_53 : i32 to index
      %get3A_54 = arith.constant 0 : index
      %get3A_55 = tpu.vector_load %arg6[%get3A, %get3A_54] {strides = array<i32>} : memref<32x128xi32, #tpu.memory_space<vmem>>, vector<1x16xi32>,
      %get3A_56 = vector.shape_cast %get3A_55 : vector<1x16xi32> to vector<16xi32>
      %add3A_57 = vector.broadcast %mul3A_2 : i32 to vector<16xi32>
      %add3A_58 = arith.addi %get3A_56, %add3A_57 : vector<16xi32>
      %swap3A = arith.index_cast %scan3A_53 : i32 to index
      %swap3A_59 = arith.constant 0 : index
      %swap3A_60 = tpu.vector_load %arg6[%swap3A, %swap3A_59] {strides = array<i32>} : memref<32x128xi32, #tpu.memory_space<vmem>>, vector<1x16xi32>,
      %swap3A_61 = vector.shape_cast %swap3A_60 : vector<1x16xi32> to vector<16xi32>
      %swap3A_62 = vector.shape_cast %add3A_58 : vector<16xi32> to vector<1x16xi32>
      tpu.vector_store %arg6[%swap3A, %swap3A_59], %swap3A_62 {strides = array<i32>} : memref<32x128xi32, #tpu.memory_space<vmem>>, vector<1x16xi32>,
      %get3A_63 = arith.index_cast %scan3A_53 : i32 to index
      %get3A_64 = arith.constant 16 : index
      %get3A_65 = tpu.vector_load %arg6[%get3A_63, %get3A_64] {strides = array<i32>} : memref<32x128xi32, #tpu.memory_space<vmem>>, vector<1x16xi32>,
      %get3A_66 = vector.shape_cast %get3A_65 : vector<1x16xi32> to vector<16xi32>
      %add3A_67 = vector.broadcast %mul3A_2 : i32 to vector<16xi32>
      %add3A_68 = arith.addi %get3A_66, %add3A_67 : vector<16xi32>
      %swap3A_69 = arith.index_cast %scan3A_53 : i32 to index
      %swap3A_70 = arith.constant 16 : index
      %swap3A_71 = tpu.vector_load %arg6[%swap3A_69, %swap3A_70] {strides = array<i32>} : memref<32x128xi32, #tpu.memory_space<vmem>>, vector<1x16xi32>,
      %swap3A_72 = vector.shape_cast %swap3A_71 : vector<1x16xi32> to vector<16xi32>
      %swap3A_73 = vector.shape_cast %add3A_68 : vector<16xi32> to vector<1x16xi32>
      tpu.vector_store %arg6[%swap3A_69, %swap3A_70], %swap3A_73 {strides = array<i32>} : memref<32x128xi32, #tpu.memory_space<vmem>>, vector<1x16xi32>,
      %get3A_74 = arith.index_cast %scan3A_53 : i32 to index
      %get3A_75 = arith.constant 32 : index
      %get3A_76 = tpu.vector_load %arg6[%get3A_74, %get3A_75] {strides = array<i32>} : memref<32x128xi32, #tpu.memory_space<vmem>>, vector<1x16xi32>,
      %get3A_77 = vector.shape_cast %get3A_76 : vector<1x16xi32> to vector<16xi32>
      %add3A_78 = vector.broadcast %mul3A_2 : i32 to vector<16xi32>
      %add3A_79 = arith.addi %get3A_77, %add3A_78 : vector<16xi32>
      %swap3A_80 = arith.index_cast %scan3A_53 : i32 to index
      %swap3A_81 = arith.constant 32 : index
      %swap3A_82 = tpu.vector_load %arg6[%swap3A_80, %swap3A_81] {strides = array<i32>} : memref<32x128xi32, #tpu.memory_space<vmem>>, vector<1x16xi32>,
      %swap3A_83 = vector.shape_cast %swap3A_82 : vector<1x16xi32> to vector<16xi32>
      %swap3A_84 = vector.shape_cast %add3A_79 : vector<16xi32> to vector<1x16xi32>
      tpu.vector_store %arg6[%swap3A_80, %swap3A_81], %swap3A_84 {strides = array<i32>} : memref<32x128xi32, #tpu.memory_space<vmem>>, vector<1x16xi32>,
      %get3A_85 = arith.index_cast %scan3A_53 : i32 to index
      %get3A_86 = arith.constant 48 : index
      %get3A_87 = tpu.vector_load %arg6[%get3A_85, %get3A_86] {strides = array<i32>} : memref<32x128xi32, #tpu.memory_space<vmem>>, vector<1x16xi32>,
      %get3A_88 = vector.shape_cast %get3A_87 : vector<1x16xi32> to vector<16xi32>
      %add3A_89 = vector.broadcast %mul3A_2 : i32 to vector<16xi32>
      %add3A_90 = arith.addi %get3A_88, %add3A_89 : vector<16xi32>
      %swap3A_91 = arith.index_cast %scan3A_53 : i32 to index
      %swap3A_92 = arith.constant 48 : index
      %swap3A_93 = tpu.vector_load %arg6[%swap3A_91, %swap3A_92] {strides = array<i32>} : memref<32x128xi32, #tpu.memory_space<vmem>>, vector<1x16xi32>,
      %swap3A_94 = vector.shape_cast %swap3A_93 : vector<1x16xi32> to vector<16xi32>
      %swap3A_95 = vector.shape_cast %add3A_90 : vector<16xi32> to vector<1x16xi32>
      tpu.vector_store %arg6[%swap3A_91, %swap3A_92], %swap3A_95 {strides = array<i32>} : memref<32x128xi32, #tpu.memory_space<vmem>>, vector<1x16xi32>,
      %get3A_96 = arith.index_cast %scan3A_53 : i32 to index
      %get3A_97 = arith.constant 64 : index
      %get3A_98 = tpu.vector_load %arg6[%get3A_96, %get3A_97] {strides = array<i32>} : memref<32x128xi32, #tpu.memory_space<vmem>>, vector<1x16xi32>,
      %get3A_99 = vector.shape_cast %get3A_98 : vector<1x16xi32> to vector<16xi32>
      %add3A_100 = vector.broadcast %mul3A_2 : i32 to vector<16xi32>
      %add3A_101 = arith.addi %get3A_99, %add3A_100 : vector<16xi32>
      %swap3A_102 = arith.index_cast %scan3A_53 : i32 to index
      %swap3A_103 = arith.constant 64 : index
      %swap3A_104 = tpu.vector_load %arg6[%swap3A_102, %swap3A_103] {strides = array<i32>} : memref<32x128xi32, #tpu.memory_space<vmem>>, vector<1x16xi32>,
      %swap3A_105 = vector.shape_cast %swap3A_104 : vector<1x16xi32> to vector<16xi32>
      %swap3A_106 = vector.shape_cast %add3A_101 : vector<16xi32> to vector<1x16xi32>
      tpu.vector_store %arg6[%swap3A_102, %swap3A_103], %swap3A_106 {strides = array<i32>} : memref<32x128xi32, #tpu.memory_space<vmem>>, vector<1x16xi32>,
      %get3A_107 = arith.index_cast %scan3A_53 : i32 to index
      %get3A_108 = arith.constant 80 : index
      %get3A_109 = tpu.vector_load %arg6[%get3A_107, %get3A_108] {strides = array<i32>} : memref<32x128xi32, #tpu.memory_space<vmem>>, vector<1x16xi32>,
      %get3A_110 = vector.shape_cast %get3A_109 : vector<1x16xi32> to vector<16xi32>
      %add3A_111 = vector.broadcast %mul3A_2 : i32 to vector<16xi32>
      %add3A_112 = arith.addi %get3A_110, %add3A_111 : vector<16xi32>
      %swap3A_113 = arith.index_cast %scan3A_53 : i32 to index
      %swap3A_114 = arith.constant 80 : index
      %swap3A_115 = tpu.vector_load %arg6[%swap3A_113, %swap3A_114] {strides = array<i32>} : memref<32x128xi32, #tpu.memory_space<vmem>>, vector<1x16xi32>,
      %swap3A_116 = vector.shape_cast %swap3A_115 : vector<1x16xi32> to vector<16xi32>
      %swap3A_117 = vector.shape_cast %add3A_112 : vector<16xi32> to vector<1x16xi32>
      tpu.vector_store %arg6[%swap3A_113, %swap3A_114], %swap3A_117 {strides = array<i32>} : memref<32x128xi32, #tpu.memory_space<vmem>>, vector<1x16xi32>,
      %get3A_118 = arith.index_cast %scan3A_53 : i32 to index
      %get3A_119 = arith.constant 96 : index
      %get3A_120 = tpu.vector_load %arg6[%get3A_118, %get3A_119] {strides = array<i32>} : memref<32x128xi32, #tpu.memory_space<vmem>>, vector<1x16xi32>,
      %get3A_121 = vector.shape_cast %get3A_120 : vector<1x16xi32> to vector<16xi32>
      %add3A_122 = vector.broadcast %mul3A_2 : i32 to vector<16xi32>
      %add3A_123 = arith.addi %get3A_121, %add3A_122 : vector<16xi32>
      %swap3A_124 = arith.index_cast %scan3A_53 : i32 to index
      %swap3A_125 = arith.constant 96 : index
      %swap3A_126 = tpu.vector_load %arg6[%swap3A_124, %swap3A_125] {strides = array<i32>} : memref<32x128xi32, #tpu.memory_space<vmem>>, vector<1x16xi32>,
      %swap3A_127 = vector.shape_cast %swap3A_126 : vector<1x16xi32> to vector<16xi32>
      %swap3A_128 = vector.shape_cast %add3A_123 : vector<16xi32> to vector<1x16xi32>
      tpu.vector_store %arg6[%swap3A_124, %swap3A_125], %swap3A_128 {strides = array<i32>} : memref<32x128xi32, #tpu.memory_space<vmem>>, vector<1x16xi32>,
      %get3A_129 = arith.index_cast %scan3A_53 : i32 to index
      %get3A_130 = arith.constant 112 : index
      %get3A_131 = tpu.vector_load %arg6[%get3A_129, %get3A_130] {strides = array<i32>} : memref<32x128xi32, #tpu.memory_space<vmem>>, vector<1x16xi32>,
      %get3A_132 = vector.shape_cast %get3A_131 : vector<1x16xi32> to vector<16xi32>
      %add3A_133 = vector.broadcast %mul3A_2 : i32 to vector<16xi32>
      %add3A_134 = arith.addi %get3A_132, %add3A_133 : vector<16xi32>
      %swap3A_135 = arith.index_cast %scan3A_53 : i32 to index
      %swap3A_136 = arith.constant 112 : index
      %swap3A_137 = tpu.vector_load %arg6[%swap3A_135, %swap3A_136] {strides = array<i32>} : memref<32x128xi32, #tpu.memory_space<vmem>>, vector<1x16xi32>,
      %swap3A_138 = vector.shape_cast %swap3A_137 : vector<1x16xi32> to vector<16xi32>
      %swap3A_139 = vector.shape_cast %add3A_134 : vector<16xi32> to vector<1x16xi32>
      tpu.vector_store %arg6[%swap3A_135, %swap3A_136], %swap3A_139 {strides = array<i32>} : memref<32x128xi32, #tpu.memory_space<vmem>>, vector<1x16xi32>,
    }
    %scan3A_32 = arith.constant 32 : i32
    %dma_start3A_33 = arith.constant 0 : i32
    %dma_start3A_34 = arith.constant 0 : i32
    %dma_start3A_35 = tpu.memref_slice %arg6[%dma_start3A_33, %dma_start3A_34] : memref<32x128xi32, #tpu.memory_space<vmem>> -> memref<1x128xi32, #tpu.memory_space<vmem>>
    %dma_start3A_36 = tpu.memref_squeeze %dma_start3A_35 : memref<1x128xi32, #tpu.memory_space<vmem>> -> memref<128xi32, #tpu.memory_space<vmem>>
    %dma_start3A_37 = arith.constant 0 : i32
    %dma_start3A_38 = arith.constant 0 : i32
    %dma_start3A_39 = tpu.memref_slice %arg2[%dma_start3A_37, %dma_start3A_38] : memref<2048x256xf32, #tpu.memory_space<hbm>> -> memref<2048x256xf32, #tpu.memory_space<hbm>>
    tpu.enqueue_indirect_dma source(%dma_start3A_39 : memref<2048x256xf32, #tpu.memory_space<hbm>>) target(%arg7 : memref<128x256xf32, #tpu.memory_space<vmem>>) offsets(%dma_start3A_36 : memref<128xi32, #tpu.memory_space<vmem>>) semaphore(%arg9 : memref<!tpu.dma_semaphore, #tpu.memory_space<semaphore_mem>>)
    %dma_start3A_40 = arith.constant 1 : i32
    %dma_start3A_41 = arith.constant 0 : i32
    %dma_start3A_42 = tpu.memref_slice %arg6[%dma_start3A_40, %dma_start3A_41] : memref<32x128xi32, #tpu.memory_space<vmem>> -> memref<1x128xi32, #tpu.memory_space<vmem>>
    %dma_start3A_43 = tpu.memref_squeeze %dma_start3A_42 : memref<1x128xi32, #tpu.memory_space<vmem>> -> memref<128xi32, #tpu.memory_space<vmem>>
    %dma_start3A_44 = arith.constant 0 : i32
    %dma_start3A_45 = arith.constant 0 : i32
    %dma_start3A_46 = tpu.memref_slice %arg2[%dma_start3A_44, %dma_start3A_45] : memref<2048x256xf32, #tpu.memory_space<hbm>> -> memref<2048x256xf32, #tpu.memory_space<hbm>>
    tpu.enqueue_indirect_dma source(%dma_start3A_46 : memref<2048x256xf32, #tpu.memory_space<hbm>>) target(%arg8 : memref<128x256xf32, #tpu.memory_space<vmem>>) offsets(%dma_start3A_43 : memref<128xi32, #tpu.memory_space<vmem>>) semaphore(%arg10 : memref<!tpu.dma_semaphore, #tpu.memory_space<semaphore_mem>>)
    %scan3A_47 = arith.constant 0 : i32
    %scan3A_48 = arith.constant 0 : i32
    %scan3A_49 = arith.constant 16 : i32
    %scan3A_50 = arith.addi %scan3A_48, %scan3A_49 : i32
    %scan3A_51 = arith.constant 1 : i32
    scf.for %scan3A_53 = %scan3A_48 to %scan3A_50 step %scan3A_51  : i32 {
      %mul3A_54 = arith.constant 2 : i32
      %mul3A_55 = arith.muli %mul3A_54, %scan3A_53 : i32
      %add3A_56 = arith.constant 0 : i32
      %add3A_57 = arith.addi %mul3A_55, %add3A_56 : i32
      %dma_wait3A = arith.constant 0 : i32
      %dma_wait3A_58 = tpu.memref_slice %arg6[%add3A_57, %dma_wait3A] : memref<32x128xi32, #tpu.memory_space<vmem>> -> memref<1x128xi32, #tpu.memory_space<vmem>>
      %dma_wait3A_59 = tpu.memref_squeeze %dma_wait3A_58 : memref<1x128xi32, #tpu.memory_space<vmem>> -> memref<128xi32, #tpu.memory_space<vmem>>
      %dma_wait3A_60 = arith.constant 0 : i32
      %dma_wait3A_61 = arith.constant 0 : i32
      %dma_wait3A_62 = tpu.memref_slice %arg2[%dma_wait3A_60, %dma_wait3A_61] : memref<2048x256xf32, #tpu.memory_space<hbm>> -> memref<2048x256xf32, #tpu.memory_space<hbm>>
      tpu.wait_indirect_dma semaphore(%arg9 : memref<!tpu.dma_semaphore, #tpu.memory_space<semaphore_mem>>) src(%dma_wait3A_62 : memref<2048x256xf32, #tpu.memory_space<hbm>>) dst(%arg7 : memref<128x256xf32, #tpu.memory_space<vmem>>)
      %mul3A_63 = arith.constant 128 : i32
      %mul3A_64 = arith.muli %add3A_57, %mul3A_63 : i32
      "tpu.region"() ({
        %run_scoped3A = tpu.sem_alloc : memref<!tpu.dma_semaphore, #tpu.memory_space<semaphore_mem>>
        %dma_start3A_88 = arith.constant 256 : i32
        %dma_start3A_89 = tpu.memref_slice %arg5[%add3A, %mul3A_64, %dma_start3A_88] : memref<32x4096x512xf32, #tpu.memory_space<hbm>> -> memref<1x128x256xf32, #tpu.memory_space<hbm>>
        %dma_start3A_90 = tpu.memref_squeeze %dma_start3A_89 : memref<1x128x256xf32, #tpu.memory_space<hbm>> -> memref<128x256xf32, #tpu.memory_space<hbm>>
        %dma_start3A_91 = arith.constant 256 : i32
        %dma_start3A_92 = tpu.memref_slice %arg5[%add3A, %mul3A_64, %dma_start3A_91] : memref<32x4096x512xf32, #tpu.memory_space<hbm>> -> memref<1x128x256xf32, #tpu.memory_space<hbm>>
        %dma_start3A_93 = tpu.memref_squeeze %dma_start3A_92 : memref<1x128x256xf32, #tpu.memory_space<hbm>> -> memref<128x256xf32, #tpu.memory_space<hbm>>
        tpu.enqueue_dma source(%arg7 : memref<128x256xf32, #tpu.memory_space<vmem>>) target(%dma_start3A_93 : memref<128x256xf32, #tpu.memory_space<hbm>>) target_semaphore(%run_scoped3A : memref<!tpu.dma_semaphore, #tpu.memory_space<semaphore_mem>>)
        %dma_wait3A_94 = arith.constant 256 : i32
        %dma_wait3A_95 = tpu.memref_slice %arg5[%add3A, %mul3A_64, %dma_wait3A_94] : memref<32x4096x512xf32, #tpu.memory_space<hbm>> -> memref<1x128x256xf32, #tpu.memory_space<hbm>>
        %dma_wait3A_96 = tpu.memref_squeeze %dma_wait3A_95 : memref<1x128x256xf32, #tpu.memory_space<hbm>> -> memref<128x256xf32, #tpu.memory_space<hbm>>
        %dma_wait3A_97 = arith.constant 256 : i32
        %dma_wait3A_98 = tpu.memref_slice %arg5[%add3A, %mul3A_64, %dma_wait3A_97] : memref<32x4096x512xf32, #tpu.memory_space<hbm>> -> memref<1x128x256xf32, #tpu.memory_space<hbm>>
        %dma_wait3A_99 = tpu.memref_squeeze %dma_wait3A_98 : memref<1x128x256xf32, #tpu.memory_space<hbm>> -> memref<128x256xf32, #tpu.memory_space<hbm>>
        tpu.wait_dma2 semaphore(%run_scoped3A : memref<!tpu.dma_semaphore, #tpu.memory_space<semaphore_mem>>) src(%arg7 : memref<128x256xf32, #tpu.memory_space<vmem>>) dst(%dma_wait3A_99 : memref<128x256xf32, #tpu.memory_space<hbm>>)
        tpu.yield
      }) : () -> ()
      %add3A_65 = arith.constant 2 : i32
      %add3A_66 = arith.addi %add3A_57, %add3A_65 : i32
      %lt3A = arith.constant 32 : i32
      %lt3A_67 = arith.cmpi slt, %add3A_66, %lt3A : i32
      %convert_element_type3A = arith.extui %lt3A_67 : i1 to i32
      %cond3A = arith.constant 0 : i32
      %cond3A_68 = arith.cmpi ne, %convert_element_type3A, %cond3A : i32
      scf.if %cond3A_68 {
        %dma_start3A_88 = arith.constant 0 : i32
        %dma_start3A_89 = tpu.memref_slice %arg6[%add3A_66, %dma_start3A_88] : memref<32x128xi32, #tpu.memory_space<vmem>> -> memref<1x128xi32, #tpu.memory_space<vmem>>
        %dma_start3A_90 = tpu.memref_squeeze %dma_start3A_89 : memref<1x128xi32, #tpu.memory_space<vmem>> -> memref<128xi32, #tpu.memory_space<vmem>>
        %dma_start3A_91 = arith.constant 0 : i32
        %dma_start3A_92 = arith.constant 0 : i32
        %dma_start3A_93 = tpu.memref_slice %arg2[%dma_start3A_91, %dma_start3A_92] : memref<2048x256xf32, #tpu.memory_space<hbm>> -> memref<2048x256xf32, #tpu.memory_space<hbm>>
        tpu.enqueue_indirect_dma source(%dma_start3A_93 : memref<2048x256xf32, #tpu.memory_space<hbm>>) target(%arg7 : memref<128x256xf32, #tpu.memory_space<vmem>>) offsets(%dma_start3A_90 : memref<128xi32, #tpu.memory_space<vmem>>) semaphore(%arg9 : memref<!tpu.dma_semaphore, #tpu.memory_space<semaphore_mem>>)
      } else {
      }
      %mul3A_69 = arith.constant 2 : i32
      %mul3A_70 = arith.muli %mul3A_69, %scan3A_53 : i32
      %add3A_71 = arith.constant 1 : i32
      %add3A_72 = arith.addi %mul3A_70, %add3A_71 : i32
      %dma_wait3A_73 = arith.constant 0 : i32
      %dma_wait3A_74 = tpu.memref_slice %arg6[%add3A_72, %dma_wait3A_73] : memref<32x128xi32, #tpu.memory_space<vmem>> -> memref<1x128xi32, #tpu.memory_space<vmem>>
      %dma_wait3A_75 = tpu.memref_squeeze %dma_wait3A_74 : memref<1x128xi32, #tpu.memory_space<vmem>> -> memref<128xi32, #tpu.memory_space<vmem>>
      %dma_wait3A_76 = arith.constant 0 : i32
      %dma_wait3A_77 = arith.constant 0 : i32
      %dma_wait3A_78 = tpu.memref_slice %arg2[%dma_wait3A_76, %dma_wait3A_77] : memref<2048x256xf32, #tpu.memory_space<hbm>> -> memref<2048x256xf32, #tpu.memory_space<hbm>>
      tpu.wait_indirect_dma semaphore(%arg10 : memref<!tpu.dma_semaphore, #tpu.memory_space<semaphore_mem>>) src(%dma_wait3A_78 : memref<2048x256xf32, #tpu.memory_space<hbm>>) dst(%arg8 : memref<128x256xf32, #tpu.memory_space<vmem>>)
      %mul3A_79 = arith.constant 128 : i32
      %mul3A_80 = arith.muli %add3A_72, %mul3A_79 : i32
      "tpu.region"() ({
        %run_scoped3A = tpu.sem_alloc : memref<!tpu.dma_semaphore, #tpu.memory_space<semaphore_mem>>
        %dma_start3A_88 = arith.constant 256 : i32
        %dma_start3A_89 = tpu.memref_slice %arg5[%add3A, %mul3A_80, %dma_start3A_88] : memref<32x4096x512xf32, #tpu.memory_space<hbm>> -> memref<1x128x256xf32, #tpu.memory_space<hbm>>
        %dma_start3A_90 = tpu.memref_squeeze %dma_start3A_89 : memref<1x128x256xf32, #tpu.memory_space<hbm>> -> memref<128x256xf32, #tpu.memory_space<hbm>>
        %dma_start3A_91 = arith.constant 256 : i32
        %dma_start3A_92 = tpu.memref_slice %arg5[%add3A, %mul3A_80, %dma_start3A_91] : memref<32x4096x512xf32, #tpu.memory_space<hbm>> -> memref<1x128x256xf32, #tpu.memory_space<hbm>>
        %dma_start3A_93 = tpu.memref_squeeze %dma_start3A_92 : memref<1x128x256xf32, #tpu.memory_space<hbm>> -> memref<128x256xf32, #tpu.memory_space<hbm>>
        tpu.enqueue_dma source(%arg8 : memref<128x256xf32, #tpu.memory_space<vmem>>) target(%dma_start3A_93 : memref<128x256xf32, #tpu.memory_space<hbm>>) target_semaphore(%run_scoped3A : memref<!tpu.dma_semaphore, #tpu.memory_space<semaphore_mem>>)
        %dma_wait3A_94 = arith.constant 256 : i32
        %dma_wait3A_95 = tpu.memref_slice %arg5[%add3A, %mul3A_80, %dma_wait3A_94] : memref<32x4096x512xf32, #tpu.memory_space<hbm>> -> memref<1x128x256xf32, #tpu.memory_space<hbm>>
        %dma_wait3A_96 = tpu.memref_squeeze %dma_wait3A_95 : memref<1x128x256xf32, #tpu.memory_space<hbm>> -> memref<128x256xf32, #tpu.memory_space<hbm>>
        %dma_wait3A_97 = arith.constant 256 : i32
        %dma_wait3A_98 = tpu.memref_slice %arg5[%add3A, %mul3A_80, %dma_wait3A_97] : memref<32x4096x512xf32, #tpu.memory_space<hbm>> -> memref<1x128x256xf32, #tpu.memory_space<hbm>>
        %dma_wait3A_99 = tpu.memref_squeeze %dma_wait3A_98 : memref<1x128x256xf32, #tpu.memory_space<hbm>> -> memref<128x256xf32, #tpu.memory_space<hbm>>
        tpu.wait_dma2 semaphore(%run_scoped3A : memref<!tpu.dma_semaphore, #tpu.memory_space<semaphore_mem>>) src(%arg8 : memref<128x256xf32, #tpu.memory_space<vmem>>) dst(%dma_wait3A_99 : memref<128x256xf32, #tpu.memory_space<hbm>>)
        tpu.yield
      }) : () -> ()
      %add3A_81 = arith.constant 2 : i32
      %add3A_82 = arith.addi %add3A_72, %add3A_81 : i32
      %lt3A_83 = arith.constant 32 : i32
      %lt3A_84 = arith.cmpi slt, %add3A_82, %lt3A_83 : i32
      %convert_element_type3A_85 = arith.extui %lt3A_84 : i1 to i32
      %cond3A_86 = arith.constant 0 : i32
      %cond3A_87 = arith.cmpi ne, %convert_element_type3A_85, %cond3A_86 : i32
      scf.if %cond3A_87 {
        %dma_start3A_88 = arith.constant 0 : i32
        %dma_start3A_89 = tpu.memref_slice %arg6[%add3A_82, %dma_start3A_88] : memref<32x128xi32, #tpu.memory_space<vmem>> -> memref<1x128xi32, #tpu.memory_space<vmem>>
        %dma_start3A_90 = tpu.memref_squeeze %dma_start3A_89 : memref<1x128xi32, #tpu.memory_space<vmem>> -> memref<128xi32, #tpu.memory_space<vmem>>
        %dma_start3A_91 = arith.constant 0 : i32
        %dma_start3A_92 = arith.constant 0 : i32
        %dma_start3A_93 = tpu.memref_slice %arg2[%dma_start3A_91, %dma_start3A_92] : memref<2048x256xf32, #tpu.memory_space<hbm>> -> memref<2048x256xf32, #tpu.memory_space<hbm>>
        tpu.enqueue_indirect_dma source(%dma_start3A_93 : memref<2048x256xf32, #tpu.memory_space<hbm>>) target(%arg8 : memref<128x256xf32, #tpu.memory_space<vmem>>) offsets(%dma_start3A_90 : memref<128xi32, #tpu.memory_space<vmem>>) semaphore(%arg10 : memref<!tpu.dma_semaphore, #tpu.memory_space<semaphore_mem>>)
      } else {
      }
    }
    %scan3A_52 = arith.constant 16 : i32
    return
  }
}

</mosaic_0001>

<sc_bundles>
// kernel: kernel.3.cloned.1.call-start
scs
__scs_entry_jumppad:
0x0: {  	(pc) =	sbr.rel $0x88, $3  }
0x1: {  	(tag) =	ssettag $0x0;
	lr =	simm.s32 $0x1  }
0x2: {  	[smem:$0x3F9E] =	sst lr;
	_ =	strace $0xD0000000  }
0x3: {  	_ = 	snop  }
0x4: {  	_ = 	snop  }
0x5: {  	_ = 	snop  }
0x6: {  	_ = 	snop  }
0x7: {  	_ = 	snop  }
__scs_overlays_trampoline_lowered:
0x8: {  	[smem:$0x3FAD] =	sst s0  }
0x9: {  	[smem:$0x3FAE] =	sst s1  }
0xa: {  	[smem:$0x3FAF] =	sst s2  }
0xb: {  	[smem:$0x3FB0] =	sst s3  }
0xc: {  	[smem:$0x3FB1] =	sst s4  }
0xd: {  	[smem:$0x3FB2] =	sst s5  }
0xe: {  	[smem:$0x3FB3] =	sst s6  }
0xf: {  	[smem:$0x3FB4] =	sst s7  }
0x10: {  	[smem:$0x3FB5] =	sst s8  }
0x11: {  	[smem:$0x3FB6] =	sst s9;
	s0 =	simm.s32 @!p0 $0x0  }
0x12: {  	s1 =	sld [smem:$0x3F9C];
	s0 =	simm.s32 @p0 $0x1  }
0x13: {  	[smem:$0x3FB7] =	sst s0;
	s0 =	simm.s32 @!p1 $0x0  }
0x14: {  	s2 =	sld [smem:$0x3F9B];
	s0 =	simm.s32 @p1 $0x1  }
0x15: {  	[smem:$0x3FB8] =	sst s0;
	s0 =	simm.s32 @!p2 $0x0  }
0x16: {  	s3 =	sld [smem:$0x3FDB];
	s0 =	simm.s32 @p2 $0x1  }
0x17: {  	s4 =	simm.s32 $0x1BF5;
	[smem:$0x3FBA] =	sst s0  }
0x18: {  	s0 =	sld [smem:$0x3F9D];
	_ =	swait.ge [sflag:s4], $0x0  }
0x19: {  	s7 =	sld [smem:$0x3F9E]  }
0x1a: {  	s8 =	sadd.s32 $0xFFFFE003, lr  }
0x1b: {  	s9 =	sadd.s32 $0xFFFFFEF7, lr;
	s5 =	simm.s32 $0xFFFFFFFF;
	p2 =	slt.u32 s8, $0xFFFFF086  }
0x1c: {  	p1 =	slt.u32 s9, $0xF7A;
	s5 =	simm.s32 @!p2 $0x0  }
0x1d: {  	s5 =	simm.s32 @p1 $0x1;
	p0 =	seq.s32 s7, s2  }
0x1e: {  	s7 =	smul.u32 @!p0 $0xF7A, s2;
	p2 =	seq.s32 @!p0 s5, $0x0  }
0x1f: {  	s9 =	smul.u32 $0xF7A, s1;
	s8 =	simm.s32 @!p0 $0x1BF5;
	p2 =	por !p2, p0  }
0x20: {  	[sflag:s8] =	ssyncset.s32 @!p0 $0xFFFFF086;
	s6 =	sadd.s32 @!p0 s3, s7;
	s7 =	simm.s32 @!p0 $0x108  }
0x21: {  	s3 =	sadd.s32 s3, s9;
	s6 =	sadd.s32 @!p0 $0x88, s6;
	s7 =	simm.s32 @p2 $0x1082  }
0x22: {  	[simem:s7], [sflag:s8] =	dma.local @!p0 [hbm:s6], $0xF7A  }
0x23: {  	s9 =	sor.u32 $0xD0000000, s2;
	s6 =	simm.s32 $0x108;
	_ =	swait.ge @!p0 [sflag:s8], $0x0  }
0x24: {  	s3 =	sadd.s32 $0x88, s3;
	s6 =	simm.s32 @!p1 $0x1082;
	[sflag:s4] =	ssyncset.s32 $0xFFFFF086  }
0x25: {  	[simem:s6], [sflag:s4] =	dma.local [hbm:s3], $0xF7A  }
0x26: {  	[smem:$0x3F9E] =	sst s1;
	(tag) =	ssettag s2;
	_ =	strace s9  }
0x27: {  	s1 =	sld [smem:$0x3FAE]  }
0x28: {  	s2 =	sld [smem:$0x3FAF]  }
0x29: {  	s4 =	sld [smem:$0x3FB1]  }
0x2a: {  	p0 =	seq.s32 s5, $0x0;
	s5 =	sld [smem:$0x3FB2]  }
0x2b: {  	s6 =	sld [smem:$0x3FB3]  }
0x2c: {  	s7 =	sld [smem:$0x3FB4]  }
0x2d: {  	s3 =	simm.s32 $0x108;
	s8 =	sld [smem:$0x3FB5]  }
0x2e: {  	s3 =	simm.s32 @!p0 $0x1082;
	s9 =	sld [smem:$0x3FB6]  }
0x2f: {  	lr =	sadd.s32 s0, s3;
	s0 =	sld [smem:$0x3FAD]  }
0x30: {  	s3 =	sld [smem:$0x3FB0]  }
0x31: {  	[smem:$0x3FB9] =	sst s10  }
0x32: {  	s10 =	sld [smem:$0x3FB7];
	_ =	sdelay $0x3  }
0x33: {  	p0 =	seq.s32 s10, $0x1;
	s10 =	sld [smem:$0x3FB9];
	_ =	sdelay $0x3  }
0x34: {  	[smem:$0x3FB9] =	sst s10  }
0x35: {  	s10 =	sld [smem:$0x3FB8];
	_ =	sdelay $0x3  }
0x36: {  	p1 =	seq.s32 s10, $0x1;
	s10 =	sld [smem:$0x3FB9];
	_ =	sdelay $0x3  }
0x37: {  	[smem:$0x3FB9] =	sst s10  }
0x38: {  	s10 =	sld [smem:$0x3FBA]  }
0x39: {  	_ = 	snop;
	(pc) =	sbr.ind lr, $3  }
0x3a: {  	_ = 	snop  }
0x3b: {  	_ = 	snop  }
0x3c: {  	p2 =	seq.s32 s10, $0x1;
	s10 =	sld [smem:$0x3FB9]  }
0x3d: {  	_ =	shalt  }
0x3e: {  	_ =	shalt  }
0x3f: {  	_ =	shalt  }
0x40: {  	_ =	shalt  }
0x41: {  	_ =	shalt  }
0x42: {  	_ =	shalt  }
0x43: {  	_ =	shalt  }
0x44: {  	_ =	shalt  }
0x45: {  	_ =	shalt  }
0x46: {  	_ =	shalt  }
0x47: {  	_ =	shalt  }
0x48: {  	_ =	shalt  }
0x49: {  	_ =	shalt  }
0x4a: {  	_ =	shalt  }
0x4b: {  	_ =	shalt  }
0x4c: {  	_ =	shalt  }
0x4d: {  	_ =	shalt  }
0x4e: {  	_ =	shalt  }
0x4f: {  	_ =	shalt  }
0x50: {  	_ =	shalt  }
0x51: {  	_ =	shalt  }
0x52: {  	_ =	shalt  }
0x53: {  	_ =	shalt  }
0x54: {  	_ =	shalt  }
0x55: {  	_ =	shalt  }
0x56: {  	_ =	shalt  }
0x57: {  	_ =	shalt  }
0x58: {  	_ =	shalt  }
0x59: {  	_ =	shalt  }
0x5a: {  	_ =	shalt  }
0x5b: {  	_ =	shalt  }
0x5c: {  	_ =	shalt  }
0x5d: {  	_ =	shalt  }
0x5e: {  	_ =	shalt  }
0x5f: {  	_ =	shalt  }
0x60: {  	_ =	shalt  }
0x61: {  	_ =	shalt  }
0x62: {  	_ =	shalt  }
0x63: {  	_ =	shalt  }
0x64: {  	_ =	shalt  }
0x65: {  	_ =	shalt  }
0x66: {  	_ =	shalt  }
0x67: {  	_ =	shalt  }
0x68: {  	_ =	shalt  }
0x69: {  	_ =	shalt  }
0x6a: {  	_ =	shalt  }
0x6b: {  	_ =	shalt  }
0x6c: {  	_ =	shalt  }
0x6d: {  	_ =	shalt  }
0x6e: {  	_ =	shalt  }
0x6f: {  	_ =	shalt  }
0x70: {  	_ =	shalt  }
0x71: {  	_ =	shalt  }
0x72: {  	_ =	shalt  }
0x73: {  	_ =	shalt  }
0x74: {  	_ =	shalt  }
0x75: {  	_ =	shalt  }
0x76: {  	_ =	shalt  }
0x77: {  	_ =	shalt  }
0x78: {  	_ =	shalt  }
0x79: {  	_ =	shalt  }
0x7a: {  	_ =	shalt  }
0x7b: {  	_ =	shalt  }
0x7c: {  	_ =	shalt  }
0x7d: {  	_ =	shalt  }
0x7e: {  	_ =	shalt  }
0x7f: {  	_ =	shalt  }
0x80: {  	_ =	shalt  }
0x81: {  	_ =	shalt  }
0x82: {  	_ =	shalt  }
0x83: {  	_ =	shalt  }
0x84: {  	_ =	shalt  }
0x85: {  	_ =	shalt  }
0x86: {  	_ =	shalt  }
0x87: {  	_ =	shalt  }
.Lfunc_end0:
.L_simem_size_0:
called_computation_lowered:
.L_overlay_start_0:
0x88: {  	s2 =	sld [smem:$0x3FD9]  }
0x89: {  	s3 =	sld [smem:$0x3FFE];
	_ =	sdelay $0x1  }
0x8a: {  	s1 =	srdreg.scid  }
0x8b: {  	s0 =	sand.u32 $0x1, s1  }
0x8c: {  	s18 =	sshll.u32 s0, $0xA;
	s2 =	sadd.s32 s3, s2  }
0x8d: {  	s2 =	sadd.s32 s2, s18  }
0x8e: {  	[smem:$0x3FC5] =	sst s2  }
0x8f: {  	_ = 	snop  }
0x90: {  	s2 =	sld [smem:$0x3FC9]  }
0x91: {  	s19 =	sld [smem:$0x3FC8]  }
0x92: {  	s4 =	sld [smem:$0x3FC7]  }
0x93: {  	s5 =	sld [smem:$0x3FD0];
	(tm) =	ssettm $0x1  }
0x94: {  	s6 =	sld [smem:$0x3FFB];
	_ =	sdelay $0x3  }
0x95: {  	_ =	strace s6  }
0x96: {  	s6 =	sld [smem:$0x3FFC];
	_ =	sdelay $0x3  }
0x97: {  	_ =	strace s6  }
0x98: {  	s6 =	sld [smem:$0x3FFD];
	_ =	sdelay $0x3  }
0x99: {  	_ =	strace s6  }
0x9a: {  	_ =	strace $0x8FFFFFFF  }
0x9b: {  	s20 =	sld [smem:$0x3FDB];
	_ =	sdelay $0x1  }
0x9c: {  	s7 =	simm.s32 $_scs_section_size  }
0x9d: {  	s8 =	simm.s32 $_size__tile_overlayer_lowered;
	s9 =	simm.s32 $_tile_overlayer_lowered  }
0x9e: {  	s23 =	simm.s32 $0x1BFF;
	s22 =	sshll.u32 s9, $0x1;
	s6 =	sadd.s32 s7, s20  }
0x9f: {  	s10 =	simm.s32 $0x0;
	s21 =	sshll.u32 s8, $0x1;
	s8 =	sadd.s32 s22, s6  }
0xa0: {  	[timem:s10], [sflag:s23] =	dma.local [hbm:s8], s21  }
0xa1: {  	_ =	swait.ge [sflag:s23], s21  }
0xa2: {  	s7 =	ssub.s32 $0x0, s21;
	[sflag:s23] =	ssyncset.done $0x0  }
0xa3: {  	[sflag:s23] =	ssyncadd.s32 s7;
	_ =	sdelay $0x1  }
0xa4: {  	s24 =	simm.s32 $0x1B8B  }
0xa5: {  	_ =	swait.ge [sflag:s24], $0x1  }
0xa6: {  	[sflag:s24] =	ssyncset.done $0x0  }
0xa7: {  	s25 =	simm.s32 $0x1B8E;
	[sflag:s24] =	ssyncadd.s32 $0xFFFFFFFF  }
0xa8: {  	s26 =	simm.s32 $execute0_lowered;
	[smem:$0x3FD2] =	sst s25  }
0xa9: {  	s7 =	sshll.u32 s26, $0x1;
	_ =	strace $0x80000046;
	[dreg:$0x1] =	wrdreg $0xFFFFFFFF  }
0xaa: {  	s28 =	simm.s32 $_size_execute0_lowered;
	s6 =	sadd.s32 s6, s7;
	[dreg:$0x0] =	wrdreg $0x0  }
0xab: {  	s7 =	sshll.u32 s28, $0x1;
	[dreg:$0x2] =	wrdreg s6  }
0xac: {  	[dreg:$0x3] =	wrdreg s7  }
0xad: {  	[dreg:$0x4] =	wrdreg $0xC0  }
0xae: {  	_ =	task [dreg:s10], $0x5FFFF  }
0xaf: {  	[dreg:$0x1] =	wrdreg $0xFFFFFFFF  }
0xb0: {  	[dreg:$0x0] =	wrdreg $0x60  }
0xb1: {  	[dreg:$0x2] =	wrdreg s2  }
0xb2: {  	[dreg:$0x3] =	wrdreg s19  }
0xb3: {  	[dreg:$0x4] =	wrdreg s4  }
0xb4: {  	[dreg:$0x5] =	wrdreg s5  }
0xb5: {  	[dreg:$0x6] =	wrdreg $0x9  }
0xb6: {  	_ =	task.clear_ibuf [dreg:s10], $0x7FFFF;
	_ =	strace $0x90000046  }
0xb7: {  	s29 =	simm.s32 $0x9;
	_ =	strace $0x80000048  }
0xb8: {  	_ =	swait.ge [sflag:s29], $0x1  }
0xb9: {  	[sflag:s29] =	ssyncadd.s32 $0xFFFFFFFF  }
0xba: {  	_ =	strace $0x90000048  }
0xbb: {  	_ =	sfence  }
0xbc: {  	s30 =	sld [smem:$0x0];
	_ =	sdelay $0x2  }
0xbd: {  	s31 =	sshll.u32 s1, $0xD;
	s1 =	sshrl.u32 s1, $0x2  }
0xbe: {  	s3 =	sand.u32 $0x4000, s31;
	s1 =	sadd.s32 s1, s30  }
0xbf: {  	s0 =	sor.u32 s3, s0;
	s1 =	sshll.u32 s1, $0x11  }
0xc0: {  	s0 =	sor.u32 s1, s0  }
0xc1: {  	s0 =	sadd.s32 $0x8F2B, s0  }
0xc2: {  	[sflag:s0] =	ssyncadd.remote.s32 $0x1  }
0xc3: {  	_ =	sfence.sel $0xFFFF  }
0xc4: {  	[dreg:$0x0] =	wrdreg $0xFFFFFFFF;
	(pc) =	sbr.abs _section_cstart, $3  }
0xc5: {  	[dreg:$0x1] =	wrdreg $0xFFFFFFFF  }
0xc6: {  	_ =	task.clear_ibuf [dreg:s10], $0x2FFFF;
	_ =	strace $0x9FFFFFFF  }
0xc7: {  	(tm) =	ssettm $0x7FFFFFFF  }
tec
execute0_lowered:
.L_overlay_start_1:
0x0: {  	(tag) =	ssettag $0x1  }
0x1: {  	s1 =	rddreg [dreg:$0x0]  }
0x2: {  	s0 =	rddreg [dreg:$0x3]  }
0x3: {  	s2 =	srdreg.scid;
	s5 =	simm.s32 $0x0;
	s8 =	stileid.u32  }
0x4: {  	s11 =	simm.s32 $0x3;
	s12 =	simm.s32 $0x1000;
	s28 =	simm.s32 $0x8800  }
0x5: {  	s29 =	simm.s32 $0x9000;
	s30 =	simm.s32 $0x9800;
	s31 =	simm.s32 $0xA000  }
0x6: {  	s13 =	simm.s32 $0xD000;
	s14 =	simm.s32 $0xD800;
	s15 =	simm.s32 $0xE000  }
0x7: {  	s16 =	simm.s32 $0xE800;
	s17 =	simm.s32 $0xF000;
	s18 =	simm.s32 $0xF800  }
0x8: {  	s20 =	simm.s32 $0x10800;
	s21 =	simm.s32 $0x1;
	s22 =	simm.s32 $0x800  }
0x9: {  	s23 =	simm.s32 $0x2;
	s2 =	sand.u32 $0x1, s2;
	[smem:$0x7FF] =	sst s5  }
0xa: {  	s6 =	sshll.u32 s8, $0x16;
	s25 =	sshll.u32 s8, $0x7;
	s3 =	ssub.s32 $0x2, s2  }
0xb: {  	s7 =	sshll.u32 s2, $0x15;
	_ =	strace $0x80000047;
	s2 =	sshll.u32 s2, $0x6  }
0xc: {  	s4 =	sshrl.u32 s3, $0x1;
	s24 =	sor.u32 s7, s6;
	s19 =	sor.u32 s2, s25  }
0xd: {  	s2 =	simm.s32 $0xB800;
	s6 =	simm.s32 $0xC800;
	s25 =	simm.s32 $0x0  }
.Ltmp0:
0xe: {  	s3 =	ssub.s32 s3, s4;
	s7 =	sor.u32 $0x10000, s24;
	(pc) =	sbr.rel .LBB2_1-.Ltmp0, $4  }
0xf: {  	s4 =	sshrl.u32 s24, $0x3;
	v0 =	vmov s19;
	s19 =	simm.s32 $0x10000;
	s26 =	sshrl.u32 s7, $0x3  }
0x10: {  	v3 =	vlaneseq.u32;
	s3 =	smax.u32 s3, $0x1;
	s8 =	sadd.s32 s4, s0;
	s4 =	simm.s32 $0xB000  }
0x11: {  	vm0 =	vmmov $0xffff;
	v2 =	vshrl.u32 v3, $0x3;
	[dreg:$0x5] =	wrdreg s3;
	s7 =	sadd.s32 s26, s0;
	s10 =	sadd.s32 $0x100, s8  }
0x12: {  	v1 =	vand.u32 $0x7, v3;
	v3 =	vor.u32 $0x8, v3;
	v2 =	vmul.u32 $0x8, v2;
	s0 =	simm.s32 $0xA800;
	s3 =	simm.s32 $0xC000;
	s9 =	sadd.s32 $0x100, s7  }
.LBB2_15:
0x13: {  	s25 =	rddreg [dreg:$0x6]  }
0x14: {  	s24 =	rddreg [dreg:$0x5];
	s25 =	sadd.s32 $0x1, s25  }
0x15: {  	p0 =	sne.s32 s25, s24  }
.Ltmp1:
0x16: {  	_ = 	snop;
	(pc) =	sbr.rel @!p0 .LBB2_16-.Ltmp1, $1  }
0x17: {  	_ =	sdelay $0x3  }
.LBB2_1:
0x18: {  	[dreg:$0x6] =	wrdreg s25  }
0x19: {  	s24 =	rddreg [dreg:$0x1]  }
0x1a: {  	[tilespmem:s5], [sflag:$0x3] =	stream.linear.gather [hbm4b:s24+s5], $0x1000, $0x38;
	[tilespmem:$0x11000] =	vst v63  }
0x1b: {  	_ =	swait.ge [sflag:s11], $0x1000  }
0x1c: {  	[sflag:s11] =	ssyncset.done $0x0  }
0x1d: {  	s24 =	simm.s32 $0x0;
	[sflag:s11] =	ssyncadd.s32 $0xFFFFF000  }
0x1e: {  	v6 =	vld [tilespmem:s24+$0x0]  }
0x1f: {  	v8 =	vld [tilespmem:s24+$0x10]  }
0x20: {  	v7 =	vld [tilespmem:s24+$0x20]  }
0x21: {  	v5 =	vld [tilespmem:s24+$0x30]  }
0x22: {  	v4 =	vld [tilespmem:s24+$0x40]  }
0x23: {  	v9 =	vadd.s32 v0, v6;
	v6 =	vld [tilespmem:s24+$0x50]  }
0x24: {  	s25 =	simm.s32 $0x200;
	[tilespmem:s24+$0x0] =	vst v9;
	v9 =	vadd.s32 v0, v8;
	v8 =	vld [tilespmem:s24+$0x60]  }
.LBB2_2:
0x25: {  	s26 =	sshra.s32 s25, $0x2;
	p0 =	sne.s32 s25, $0x3E00;
	[tilespmem:s24+$0x10] =	vst v9;
	v7 =	vadd.s32 v0, v7;
	v9 =	vld [tilespmem:s24+$0x70]  }
0x26: {  	v10 =	vld [tilespmem:s26+$0x0];
	[tilespmem:s24+$0x20] =	vst v7;
	v5 =	vadd.s32 v0, v5  }
0x27: {  	v11 =	vld [tilespmem:s26+$0x10];
	[tilespmem:s24+$0x30] =	vst v5;
	v4 =	vadd.s32 v0, v4  }
.Ltmp2:
0x28: {  	v7 =	vld [tilespmem:s26+$0x20];
	[tilespmem:s24+$0x40] =	vst v4;
	v4 =	vadd.s32 v0, v6;
	(pc) =	sbr.rel @p0 .LBB2_2-.Ltmp2, $4  }
0x29: {  	v5 =	vld [tilespmem:s26+$0x30];
	[tilespmem:s24+$0x50] =	vst v4;
	v6 =	vadd.s32 v0, v8  }
0x2a: {  	v4 =	vld [tilespmem:s26+$0x40];
	[tilespmem:s24+$0x60] =	vst v6;
	v8 =	vadd.s32 v0, v9  }
0x2b: {  	v9 =	vadd.s32 v0, v10;
	v6 =	vld [tilespmem:s26+$0x50];
	[tilespmem:s24+$0x70] =	vst v8;
	s24 =	smov.u32 s26  }
0x2c: {  	s25 =	sadd.s32 $0x200, s25;
	[tilespmem:s24+$0x0] =	vst v9;
	v9 =	vadd.s32 v0, v11;
	v8 =	vld [tilespmem:s24+$0x60]  }
0x2d: {  	[tilespmem:s24+$0x10] =	vst v9;
	v7 =	vadd.s32 v0, v7;
	v63 =	vld [tilespmem:s24+$0x70]  }
0x2e: {  	[tilespmem:s24+$0x20] =	vst v7;
	v5 =	vadd.s32 v0, v5  }
0x2f: {  	[tilespmem:s24+$0x30] =	vst v5;
	v4 =	vadd.s32 v0, v4  }
0x30: {  	[tilespmem:s24+$0x40] =	vst v4;
	v4 =	vadd.s32 v0, v6  }
0x31: {  	[tilespmem:s24+$0x50] =	vst v4;
	v4 =	vadd.s32 v0, v8  }
0x32: {  	[tilespmem:s24+$0x60] =	vst v4;
	v4 =	vadd.s32 v0, v63  }
0x33: {  	[tilespmem:s24+$0x70] =	vst v4  }
0x34: {  	v4 =	vld [tilespmem:$0x0];
	_ =	sdelay $0x4  }
0x35: {  	v5 =	vshll.u32 v4, $0x1  }
0x36: {  	v4 =	vand.u32 $0x7, v4;
	v5 =	vand.u32 $0xFFFFFFF0, v5  }
0x37: {  	v4 =	vor.u32 v4, v5  }
0x38: {  	v5 =	vperm.xlane v4, v1;
	_ =	sdelay $0x1  }
0x39: {  	v4 =	vperm.xlane v4, v3;
	v5 =	vadd.s32 v2, v5;
	_ =	sdelay $0x1  }
0x3a: {  	v4 =	vadd.s32 v2, v4;
	_ =	sdelay $0x1  }
0x3b: {  	s24 =	simm.s32 $0x0  }
0x3c: {  	[tilespmem:s12], [sflag:$0x1] =	stream.indirect_vreg.gather [hbm4b:s1+s24], $0x80, v5, vm0, $0xb8;
	[tilespmem:$0x11000] =	vst v63  }
0x3d: {  	s25 =	simm.s32 $0x1800  }
0x3e: {  	[tilespmem:s25], [sflag:$0x1] =	stream.indirect_vreg.gather [hbm4b:s1+s24], $0x80, v4, vm0, $0xb8;
	[tilespmem:$0x11000] =	vst v63  }
0x3f: {  	v4 =	vld [tilespmem:$0x10];
	_ =	sdelay $0x4  }
0x40: {  	v5 =	vshll.u32 v4, $0x1  }
0x41: {  	v4 =	vand.u32 $0x7, v4;
	v5 =	vand.u32 $0xFFFFFFF0, v5  }
0x42: {  	v4 =	vor.u32 v4, v5  }
0x43: {  	v5 =	vperm.xlane v4, v1;
	_ =	sdelay $0x1  }
0x44: {  	v4 =	vperm.xlane v4, v3;
	v5 =	vadd.s32 v2, v5;
	_ =	sdelay $0x1  }
0x45: {  	v4 =	vadd.s32 v2, v4;
	_ =	sdelay $0x1  }
0x46: {  	s26 =	simm.s32 $0x2000  }
0x47: {  	[tilespmem:s26], [sflag:$0x1] =	stream.indirect_vreg.gather [hbm4b:s1+s24], $0x80, v5, vm0, $0xb8;
	[tilespmem:$0x11000] =	vst v63  }
0x48: {  	s26 =	simm.s32 $0x2800  }
0x49: {  	[tilespmem:s26], [sflag:$0x1] =	stream.indirect_vreg.gather [hbm4b:s1+s24], $0x80, v4, vm0, $0xb8;
	[tilespmem:$0x11000] =	vst v63  }
0x4a: {  	v4 =	vld [tilespmem:$0x20];
	_ =	sdelay $0x4  }
0x4b: {  	v5 =	vshll.u32 v4, $0x1  }
0x4c: {  	v4 =	vand.u32 $0x7, v4;
	v5 =	vand.u32 $0xFFFFFFF0, v5  }
0x4d: {  	v4 =	vor.u32 v4, v5  }
0x4e: {  	v5 =	vperm.xlane v4, v1;
	_ =	sdelay $0x1  }
0x4f: {  	v4 =	vperm.xlane v4, v3;
	v5 =	vadd.s32 v2, v5;
	_ =	sdelay $0x1  }
0x50: {  	v4 =	vadd.s32 v2, v4;
	_ =	sdelay $0x1  }
0x51: {  	s26 =	simm.s32 $0x3000  }
0x52: {  	[tilespmem:s26], [sflag:$0x1] =	stream.indirect_vreg.gather [hbm4b:s1+s24], $0x80, v5, vm0, $0xb8;
	[tilespmem:$0x11000] =	vst v63  }
0x53: {  	s26 =	simm.s32 $0x3800  }
0x54: {  	[tilespmem:s26], [sflag:$0x1] =	stream.indirect_vreg.gather [hbm4b:s1+s24], $0x80, v4, vm0, $0xb8;
	[tilespmem:$0x11000] =	vst v63  }
0x55: {  	v4 =	vld [tilespmem:$0x30];
	_ =	sdelay $0x4  }
0x56: {  	v5 =	vshll.u32 v4, $0x1  }
0x57: {  	v4 =	vand.u32 $0x7, v4;
	v5 =	vand.u32 $0xFFFFFFF0, v5  }
0x58: {  	v4 =	vor.u32 v4, v5  }
0x59: {  	v5 =	vperm.xlane v4, v1;
	_ =	sdelay $0x1  }
0x5a: {  	v4 =	vperm.xlane v4, v3;
	v5 =	vadd.s32 v2, v5;
	_ =	sdelay $0x1  }
0x5b: {  	v4 =	vadd.s32 v2, v4;
	_ =	sdelay $0x1  }
0x5c: {  	s26 =	simm.s32 $0x4000  }
0x5d: {  	[tilespmem:s26], [sflag:$0x1] =	stream.indirect_vreg.gather [hbm4b:s1+s24], $0x80, v5, vm0, $0xb8;
	[tilespmem:$0x11000] =	vst v63  }
0x5e: {  	s26 =	simm.s32 $0x4800  }
0x5f: {  	[tilespmem:s26], [sflag:$0x1] =	stream.indirect_vreg.gather [hbm4b:s1+s24], $0x80, v4, vm0, $0xb8;
	[tilespmem:$0x11000] =	vst v63  }
0x60: {  	v4 =	vld [tilespmem:$0x40];
	_ =	sdelay $0x4  }
0x61: {  	v5 =	vshll.u32 v4, $0x1  }
0x62: {  	v4 =	vand.u32 $0x7, v4;
	v5 =	vand.u32 $0xFFFFFFF0, v5  }
0x63: {  	v4 =	vor.u32 v4, v5  }
0x64: {  	v5 =	vperm.xlane v4, v1;
	_ =	sdelay $0x1  }
0x65: {  	v4 =	vperm.xlane v4, v3;
	v5 =	vadd.s32 v2, v5;
	_ =	sdelay $0x1  }
0x66: {  	v4 =	vadd.s32 v2, v4;
	_ =	sdelay $0x1  }
0x67: {  	s26 =	simm.s32 $0x5000  }
0x68: {  	[tilespmem:s26], [sflag:$0x1] =	stream.indirect_vreg.gather [hbm4b:s1+s24], $0x80, v5, vm0, $0xb8;
	[tilespmem:$0x11000] =	vst v63  }
0x69: {  	s26 =	simm.s32 $0x5800  }
0x6a: {  	[tilespmem:s26], [sflag:$0x1] =	stream.indirect_vreg.gather [hbm4b:s1+s24], $0x80, v4, vm0, $0xb8;
	[tilespmem:$0x11000] =	vst v63  }
0x6b: {  	v4 =	vld [tilespmem:$0x50];
	_ =	sdelay $0x4  }
0x6c: {  	v5 =	vshll.u32 v4, $0x1  }
0x6d: {  	v4 =	vand.u32 $0x7, v4;
	v5 =	vand.u32 $0xFFFFFFF0, v5  }
0x6e: {  	v4 =	vor.u32 v4, v5  }
0x6f: {  	v5 =	vperm.xlane v4, v1;
	_ =	sdelay $0x1  }
0x70: {  	v4 =	vperm.xlane v4, v3;
	v5 =	vadd.s32 v2, v5;
	_ =	sdelay $0x1  }
0x71: {  	v4 =	vadd.s32 v2, v4;
	_ =	sdelay $0x1  }
0x72: {  	s26 =	simm.s32 $0x6000  }
0x73: {  	[tilespmem:s26], [sflag:$0x1] =	stream.indirect_vreg.gather [hbm4b:s1+s24], $0x80, v5, vm0, $0xb8;
	[tilespmem:$0x11000] =	vst v63  }
0x74: {  	s26 =	simm.s32 $0x6800  }
0x75: {  	[tilespmem:s26], [sflag:$0x1] =	stream.indirect_vreg.gather [hbm4b:s1+s24], $0x80, v4, vm0, $0xb8;
	[tilespmem:$0x11000] =	vst v63  }
0x76: {  	v4 =	vld [tilespmem:$0x60];
	_ =	sdelay $0x4  }
0x77: {  	v5 =	vshll.u32 v4, $0x1  }
0x78: {  	v4 =	vand.u32 $0x7, v4;
	v5 =	vand.u32 $0xFFFFFFF0, v5  }
0x79: {  	v4 =	vor.u32 v4, v5  }
0x7a: {  	v5 =	vperm.xlane v4, v1;
	_ =	sdelay $0x1  }
0x7b: {  	v4 =	vperm.xlane v4, v3;
	v5 =	vadd.s32 v2, v5;
	_ =	sdelay $0x1  }
0x7c: {  	v4 =	vadd.s32 v2, v4;
	_ =	sdelay $0x1  }
0x7d: {  	s26 =	simm.s32 $0x7000  }
0x7e: {  	[tilespmem:s26], [sflag:$0x1] =	stream.indirect_vreg.gather [hbm4b:s1+s24], $0x80, v5, vm0, $0xb8;
	[tilespmem:$0x11000] =	vst v63  }
0x7f: {  	s26 =	simm.s32 $0x7800  }
0x80: {  	[tilespmem:s26], [sflag:$0x1] =	stream.indirect_vreg.gather [hbm4b:s1+s24], $0x80, v4, vm0, $0xb8;
	[tilespmem:$0x11000] =	vst v63  }
0x81: {  	v4 =	vld [tilespmem:$0x70];
	_ =	sdelay $0x4  }
0x82: {  	v5 =	vshll.u32 v4, $0x1  }
0x83: {  	v4 =	vand.u32 $0x7, v4;
	v5 =	vand.u32 $0xFFFFFFF0, v5  }
0x84: {  	v4 =	vor.u32 v4, v5  }
0x85: {  	v5 =	vperm.xlane v4, v1;
	_ =	sdelay $0x1  }
0x86: {  	v4 =	vperm.xlane v4, v3;
	v5 =	vadd.s32 v2, v5;
	_ =	sdelay $0x1  }
0x87: {  	v4 =	vadd.s32 v2, v4;
	_ =	sdelay $0x1  }
0x88: {  	s26 =	simm.s32 $0x8000  }
0x89: {  	[tilespmem:s26], [sflag:$0x1] =	stream.indirect_vreg.gather [hbm4b:s1+s24], $0x80, v5, vm0, $0xb8;
	[tilespmem:$0x11000] =	vst v63  }
0x8a: {  	_ = 	snop  }
0x8b: {  	[tilespmem:s28], [sflag:$0x1] =	stream.indirect_vreg.gather [hbm4b:s1+s24], $0x80, v4, vm0, $0xb8;
	[tilespmem:$0x11000] =	vst v63  }
0x8c: {  	v4 =	vld [tilespmem:$0x80];
	_ =	sdelay $0x4  }
0x8d: {  	v5 =	vshll.u32 v4, $0x1  }
0x8e: {  	v4 =	vand.u32 $0x7, v4;
	v5 =	vand.u32 $0xFFFFFFF0, v5  }
0x8f: {  	v4 =	vor.u32 v4, v5  }
0x90: {  	v5 =	vperm.xlane v4, v1;
	_ =	sdelay $0x1  }
0x91: {  	v4 =	vperm.xlane v4, v3;
	v5 =	vadd.s32 v2, v5;
	_ =	sdelay $0x1  }
0x92: {  	v4 =	vadd.s32 v2, v4;
	_ =	sdelay $0x2  }
0x93: {  	[tilespmem:s29], [sflag:$0x2] =	stream.indirect_vreg.gather [hbm4b:s1+s24], $0x80, v5, vm0, $0xb8;
	[tilespmem:$0x11000] =	vst v63  }
0x94: {  	_ = 	snop  }
0x95: {  	[tilespmem:s30], [sflag:$0x2] =	stream.indirect_vreg.gather [hbm4b:s1+s24], $0x80, v4, vm0, $0xb8;
	[tilespmem:$0x11000] =	vst v63  }
0x96: {  	v4 =	vld [tilespmem:$0x90];
	_ =	sdelay $0x4  }
0x97: {  	v5 =	vshll.u32 v4, $0x1  }
0x98: {  	v4 =	vand.u32 $0x7, v4;
	v5 =	vand.u32 $0xFFFFFFF0, v5  }
0x99: {  	v4 =	vor.u32 v4, v5  }
0x9a: {  	v5 =	vperm.xlane v4, v1;
	_ =	sdelay $0x1  }
0x9b: {  	v4 =	vperm.xlane v4, v3;
	v5 =	vadd.s32 v2, v5;
	_ =	sdelay $0x1  }
0x9c: {  	v4 =	vadd.s32 v2, v4;
	_ =	sdelay $0x2  }
0x9d: {  	[tilespmem:s31], [sflag:$0x2] =	stream.indirect_vreg.gather [hbm4b:s1+s24], $0x80, v5, vm0, $0xb8;
	[tilespmem:$0x11000] =	vst v63  }
0x9e: {  	_ = 	snop  }
0x9f: {  	[tilespmem:s0], [sflag:$0x2] =	stream.indirect_vreg.gather [hbm4b:s1+s24], $0x80, v4, vm0, $0xb8;
	[tilespmem:$0x11000] =	vst v63  }
0xa0: {  	v4 =	vld [tilespmem:$0xA0];
	_ =	sdelay $0x4  }
0xa1: {  	v5 =	vshll.u32 v4, $0x1  }
0xa2: {  	v4 =	vand.u32 $0x7, v4;
	v5 =	vand.u32 $0xFFFFFFF0, v5  }
0xa3: {  	v4 =	vor.u32 v4, v5  }
0xa4: {  	v5 =	vperm.xlane v4, v1;
	_ =	sdelay $0x1  }
0xa5: {  	v4 =	vperm.xlane v4, v3;
	v5 =	vadd.s32 v2, v5;
	_ =	sdelay $0x1  }
0xa6: {  	v4 =	vadd.s32 v2, v4;
	_ =	sdelay $0x2  }
0xa7: {  	[tilespmem:s4], [sflag:$0x2] =	stream.indirect_vreg.gather [hbm4b:s1+s24], $0x80, v5, vm0, $0xb8;
	[tilespmem:$0x11000] =	vst v63  }
0xa8: {  	_ = 	snop  }
0xa9: {  	[tilespmem:s2], [sflag:$0x2] =	stream.indirect_vreg.gather [hbm4b:s1+s24], $0x80, v4, vm0, $0xb8;
	[tilespmem:$0x11000] =	vst v63  }
0xaa: {  	v4 =	vld [tilespmem:$0xB0];
	_ =	sdelay $0x4  }
0xab: {  	v5 =	vshll.u32 v4, $0x1  }
0xac: {  	v4 =	vand.u32 $0x7, v4;
	v5 =	vand.u32 $0xFFFFFFF0, v5  }
0xad: {  	v4 =	vor.u32 v4, v5  }
0xae: {  	v5 =	vperm.xlane v4, v1;
	_ =	sdelay $0x1  }
0xaf: {  	v4 =	vperm.xlane v4, v3;
	v5 =	vadd.s32 v2, v5;
	_ =	sdelay $0x1  }
0xb0: {  	v4 =	vadd.s32 v2, v4;
	_ =	sdelay $0x2  }
0xb1: {  	[tilespmem:s3], [sflag:$0x2] =	stream.indirect_vreg.gather [hbm4b:s1+s24], $0x80, v5, vm0, $0xb8;
	[tilespmem:$0x11000] =	vst v63  }
0xb2: {  	_ = 	snop  }
0xb3: {  	[tilespmem:s6], [sflag:$0x2] =	stream.indirect_vreg.gather [hbm4b:s1+s24], $0x80, v4, vm0, $0xb8;
	[tilespmem:$0x11000] =	vst v63  }
0xb4: {  	v4 =	vld [tilespmem:$0xC0];
	_ =	sdelay $0x4  }
0xb5: {  	v5 =	vshll.u32 v4, $0x1  }
0xb6: {  	v4 =	vand.u32 $0x7, v4;
	v5 =	vand.u32 $0xFFFFFFF0, v5  }
0xb7: {  	v4 =	vor.u32 v4, v5  }
0xb8: {  	v5 =	vperm.xlane v4, v1;
	_ =	sdelay $0x1  }
0xb9: {  	v4 =	vperm.xlane v4, v3;
	v5 =	vadd.s32 v2, v5;
	_ =	sdelay $0x1  }
0xba: {  	v4 =	vadd.s32 v2, v4;
	_ =	sdelay $0x2  }
0xbb: {  	[tilespmem:s13], [sflag:$0x2] =	stream.indirect_vreg.gather [hbm4b:s1+s24], $0x80, v5, vm0, $0xb8;
	[tilespmem:$0x11000] =	vst v63  }
0xbc: {  	_ = 	snop  }
0xbd: {  	[tilespmem:s14], [sflag:$0x2] =	stream.indirect_vreg.gather [hbm4b:s1+s24], $0x80, v4, vm0, $0xb8;
	[tilespmem:$0x11000] =	vst v63  }
0xbe: {  	v4 =	vld [tilespmem:$0xD0];
	_ =	sdelay $0x4  }
0xbf: {  	v5 =	vshll.u32 v4, $0x1  }
0xc0: {  	v4 =	vand.u32 $0x7, v4;
	v5 =	vand.u32 $0xFFFFFFF0, v5  }
0xc1: {  	v4 =	vor.u32 v4, v5  }
0xc2: {  	v5 =	vperm.xlane v4, v1;
	_ =	sdelay $0x1  }
0xc3: {  	v4 =	vperm.xlane v4, v3;
	v5 =	vadd.s32 v2, v5;
	_ =	sdelay $0x1  }
0xc4: {  	v4 =	vadd.s32 v2, v4;
	_ =	sdelay $0x2  }
0xc5: {  	[tilespmem:s15], [sflag:$0x2] =	stream.indirect_vreg.gather [hbm4b:s1+s24], $0x80, v5, vm0, $0xb8;
	[tilespmem:$0x11000] =	vst v63  }
0xc6: {  	_ = 	snop  }
0xc7: {  	[tilespmem:s16], [sflag:$0x2] =	stream.indirect_vreg.gather [hbm4b:s1+s24], $0x80, v4, vm0, $0xb8;
	[tilespmem:$0x11000] =	vst v63  }
0xc8: {  	v4 =	vld [tilespmem:$0xE0];
	_ =	sdelay $0x4  }
0xc9: {  	v5 =	vshll.u32 v4, $0x1  }
0xca: {  	v4 =	vand.u32 $0x7, v4;
	v5 =	vand.u32 $0xFFFFFFF0, v5  }
0xcb: {  	v4 =	vor.u32 v4, v5  }
0xcc: {  	v5 =	vperm.xlane v4, v1;
	_ =	sdelay $0x1  }
0xcd: {  	v4 =	vperm.xlane v4, v3;
	v5 =	vadd.s32 v2, v5;
	_ =	sdelay $0x1  }
0xce: {  	v4 =	vadd.s32 v2, v4;
	_ =	sdelay $0x2  }
0xcf: {  	[tilespmem:s17], [sflag:$0x2] =	stream.indirect_vreg.gather [hbm4b:s1+s24], $0x80, v5, vm0, $0xb8;
	[tilespmem:$0x11000] =	vst v63  }
0xd0: {  	_ = 	snop  }
0xd1: {  	[tilespmem:s18], [sflag:$0x2] =	stream.indirect_vreg.gather [hbm4b:s1+s24], $0x80, v4, vm0, $0xb8;
	[tilespmem:$0x11000] =	vst v63  }
0xd2: {  	v4 =	vld [tilespmem:$0xF0];
	_ =	sdelay $0x4  }
0xd3: {  	v5 =	vshll.u32 v4, $0x1  }
0xd4: {  	v4 =	vand.u32 $0x7, v4;
	v5 =	vand.u32 $0xFFFFFFF0, v5  }
0xd5: {  	v4 =	vor.u32 v4, v5  }
0xd6: {  	v5 =	vperm.xlane v4, v1;
	_ =	sdelay $0x1  }
0xd7: {  	v4 =	vperm.xlane v4, v3;
	v5 =	vadd.s32 v2, v5;
	_ =	sdelay $0x1  }
0xd8: {  	v4 =	vadd.s32 v2, v4;
	_ =	sdelay $0x2  }
0xd9: {  	[tilespmem:s19], [sflag:$0x2] =	stream.indirect_vreg.gather [hbm4b:s1+s24], $0x80, v5, vm0, $0xb8;
	[tilespmem:$0x11000] =	vst v63  }
0xda: {  	s25 =	simm.s32 $0x1F0  }
0xdb: {  	[tilespmem:s20], [sflag:$0x2] =	stream.indirect_vreg.gather [hbm4b:s1+s24], $0x80, v4, vm0, $0xb8;
	[tilespmem:$0x11000] =	vst v63  }
.LBB2_4:
0xdc: {  	_ =	swait.ge [sflag:s21], $0x8000  }
0xdd: {  	p0 =	seq.s32 s24, $0x3C000;
	[sflag:s21] =	ssyncset.done $0x0  }
.Ltmp3:
0xde: {  	s26 =	sadd.s32 s24, s8;
	[sflag:s21] =	ssyncadd.s32 $0xFFFF8000;
	(pc) =	sbr.rel @p0 .LBB2_6-.Ltmp3, $4  }
0xdf: {  	[hbm4b:s26+s22] =	stream.strided.scatter [tilespmem:s12], [sflag:$0x3], $0x8000, s12, s22, $0x38;
	[tilespmem:$0x11000] =	vst v63  }
0xe0: {  	_ =	swait.ge [sflag:s11], $0x8000  }
0xe1: {  	[sflag:s11] =	ssyncset.done $0x0  }
0xe2: {  	[sflag:s11] =	ssyncadd.s32 $0xFFFF8000  }
0xe3: {  	v4 =	vld [tilespmem:s25+$0xFFFFFF10];
	_ =	sdelay $0x4  }
0xe4: {  	v5 =	vshll.u32 v4, $0x1  }
0xe5: {  	v4 =	vand.u32 $0x7, v4;
	v5 =	vand.u32 $0xFFFFFFF0, v5  }
0xe6: {  	v4 =	vor.u32 v4, v5  }
0xe7: {  	v5 =	vperm.xlane v4, v1;
	_ =	sdelay $0x1  }
0xe8: {  	v4 =	vperm.xlane v4, v3;
	v5 =	vadd.s32 v2, v5;
	_ =	sdelay $0x1  }
0xe9: {  	v4 =	vadd.s32 v2, v4;
	_ =	sdelay $0x2  }
0xea: {  	[tilespmem:s12], [sflag:$0x1] =	stream.indirect_vreg.gather [hbm4b:s1+s5], $0x80, v5, vm0, $0xb8;
	[tilespmem:$0x11000] =	vst v63  }
0xeb: {  	s26 =	simm.s32 $0x1800  }
0xec: {  	[tilespmem:s26], [sflag:$0x1] =	stream.indirect_vreg.gather [hbm4b:s1+s5], $0x80, v4, vm0, $0xb8;
	[tilespmem:$0x11000] =	vst v63  }
0xed: {  	v4 =	vld [tilespmem:s25+$0xFFFFFF20];
	_ =	sdelay $0x4  }
0xee: {  	v5 =	vshll.u32 v4, $0x1  }
0xef: {  	v4 =	vand.u32 $0x7, v4;
	v5 =	vand.u32 $0xFFFFFFF0, v5  }
0xf0: {  	v4 =	vor.u32 v4, v5  }
0xf1: {  	v5 =	vperm.xlane v4, v1;
	_ =	sdelay $0x1  }
0xf2: {  	v4 =	vperm.xlane v4, v3;
	v5 =	vadd.s32 v2, v5;
	_ =	sdelay $0x1  }
0xf3: {  	v4 =	vadd.s32 v2, v4;
	_ =	sdelay $0x1  }
0xf4: {  	s26 =	simm.s32 $0x2000  }
0xf5: {  	[tilespmem:s26], [sflag:$0x1] =	stream.indirect_vreg.gather [hbm4b:s1+s5], $0x80, v5, vm0, $0xb8;
	[tilespmem:$0x11000] =	vst v63  }
0xf6: {  	s26 =	simm.s32 $0x2800  }
0xf7: {  	[tilespmem:s26], [sflag:$0x1] =	stream.indirect_vreg.gather [hbm4b:s1+s5], $0x80, v4, vm0, $0xb8;
	[tilespmem:$0x11000] =	vst v63  }
0xf8: {  	v4 =	vld [tilespmem:s25+$0xFFFFFF30];
	_ =	sdelay $0x4  }
0xf9: {  	v5 =	vshll.u32 v4, $0x1  }
0xfa: {  	v4 =	vand.u32 $0x7, v4;
	v5 =	vand.u32 $0xFFFFFFF0, v5  }
0xfb: {  	v4 =	vor.u32 v4, v5  }
0xfc: {  	v5 =	vperm.xlane v4, v1;
	_ =	sdelay $0x1  }
0xfd: {  	v4 =	vperm.xlane v4, v3;
	v5 =	vadd.s32 v2, v5;
	_ =	sdelay $0x1  }
0xfe: {  	v4 =	vadd.s32 v2, v4;
	_ =	sdelay $0x1  }
0xff: {  	s26 =	simm.s32 $0x3000  }
0x100: {  	[tilespmem:s26], [sflag:$0x1] =	stream.indirect_vreg.gather [hbm4b:s1+s5], $0x80, v5, vm0, $0xb8;
	[tilespmem:$0x11000] =	vst v63  }
0x101: {  	s26 =	simm.s32 $0x3800  }
0x102: {  	[tilespmem:s26], [sflag:$0x1] =	stream.indirect_vreg.gather [hbm4b:s1+s5], $0x80, v4, vm0, $0xb8;
	[tilespmem:$0x11000] =	vst v63  }
0x103: {  	v4 =	vld [tilespmem:s25+$0xFFFFFF40];
	_ =	sdelay $0x4  }
0x104: {  	v5 =	vshll.u32 v4, $0x1  }
0x105: {  	v4 =	vand.u32 $0x7, v4;
	v5 =	vand.u32 $0xFFFFFFF0, v5  }
0x106: {  	v4 =	vor.u32 v4, v5  }
0x107: {  	v5 =	vperm.xlane v4, v1;
	_ =	sdelay $0x1  }
0x108: {  	v4 =	vperm.xlane v4, v3;
	v5 =	vadd.s32 v2, v5;
	_ =	sdelay $0x1  }
0x109: {  	v4 =	vadd.s32 v2, v4;
	_ =	sdelay $0x1  }
0x10a: {  	s26 =	simm.s32 $0x4000  }
0x10b: {  	[tilespmem:s26], [sflag:$0x1] =	stream.indirect_vreg.gather [hbm4b:s1+s5], $0x80, v5, vm0, $0xb8;
	[tilespmem:$0x11000] =	vst v63  }
0x10c: {  	s26 =	simm.s32 $0x4800  }
0x10d: {  	[tilespmem:s26], [sflag:$0x1] =	stream.indirect_vreg.gather [hbm4b:s1+s5], $0x80, v4, vm0, $0xb8;
	[tilespmem:$0x11000] =	vst v63  }
0x10e: {  	v4 =	vld [tilespmem:s25+$0xFFFFFF50];
	_ =	sdelay $0x4  }
0x10f: {  	v5 =	vshll.u32 v4, $0x1  }
0x110: {  	v4 =	vand.u32 $0x7, v4;
	v5 =	vand.u32 $0xFFFFFFF0, v5  }
0x111: {  	v4 =	vor.u32 v4, v5  }
0x112: {  	v5 =	vperm.xlane v4, v1;
	_ =	sdelay $0x1  }
0x113: {  	v4 =	vperm.xlane v4, v3;
	v5 =	vadd.s32 v2, v5;
	_ =	sdelay $0x1  }
0x114: {  	v4 =	vadd.s32 v2, v4;
	_ =	sdelay $0x1  }
0x115: {  	s26 =	simm.s32 $0x5000  }
0x116: {  	[tilespmem:s26], [sflag:$0x1] =	stream.indirect_vreg.gather [hbm4b:s1+s5], $0x80, v5, vm0, $0xb8;
	[tilespmem:$0x11000] =	vst v63  }
0x117: {  	s26 =	simm.s32 $0x5800  }
0x118: {  	[tilespmem:s26], [sflag:$0x1] =	stream.indirect_vreg.gather [hbm4b:s1+s5], $0x80, v4, vm0, $0xb8;
	[tilespmem:$0x11000] =	vst v63  }
0x119: {  	v4 =	vld [tilespmem:s25+$0xFFFFFF60];
	_ =	sdelay $0x4  }
0x11a: {  	v5 =	vshll.u32 v4, $0x1  }
0x11b: {  	v4 =	vand.u32 $0x7, v4;
	v5 =	vand.u32 $0xFFFFFFF0, v5  }
0x11c: {  	v4 =	vor.u32 v4, v5  }
0x11d: {  	v5 =	vperm.xlane v4, v1;
	_ =	sdelay $0x1  }
0x11e: {  	v4 =	vperm.xlane v4, v3;
	v5 =	vadd.s32 v2, v5;
	_ =	sdelay $0x1  }
0x11f: {  	v4 =	vadd.s32 v2, v4;
	_ =	sdelay $0x1  }
0x120: {  	s26 =	simm.s32 $0x6000  }
0x121: {  	[tilespmem:s26], [sflag:$0x1] =	stream.indirect_vreg.gather [hbm4b:s1+s5], $0x80, v5, vm0, $0xb8;
	[tilespmem:$0x11000] =	vst v63  }
0x122: {  	s26 =	simm.s32 $0x6800  }
0x123: {  	[tilespmem:s26], [sflag:$0x1] =	stream.indirect_vreg.gather [hbm4b:s1+s5], $0x80, v4, vm0, $0xb8;
	[tilespmem:$0x11000] =	vst v63  }
0x124: {  	v4 =	vld [tilespmem:s25+$0xFFFFFF70];
	_ =	sdelay $0x4  }
0x125: {  	v5 =	vshll.u32 v4, $0x1  }
0x126: {  	v4 =	vand.u32 $0x7, v4;
	v5 =	vand.u32 $0xFFFFFFF0, v5  }
0x127: {  	v4 =	vor.u32 v4, v5  }
0x128: {  	v5 =	vperm.xlane v4, v1;
	_ =	sdelay $0x1  }
0x129: {  	v4 =	vperm.xlane v4, v3;
	v5 =	vadd.s32 v2, v5;
	_ =	sdelay $0x1  }
0x12a: {  	v4 =	vadd.s32 v2, v4;
	_ =	sdelay $0x1  }
0x12b: {  	s26 =	simm.s32 $0x7000  }
0x12c: {  	[tilespmem:s26], [sflag:$0x1] =	stream.indirect_vreg.gather [hbm4b:s1+s5], $0x80, v5, vm0, $0xb8;
	[tilespmem:$0x11000] =	vst v63  }
0x12d: {  	s26 =	simm.s32 $0x7800  }
0x12e: {  	[tilespmem:s26], [sflag:$0x1] =	stream.indirect_vreg.gather [hbm4b:s1+s5], $0x80, v4, vm0, $0xb8;
	[tilespmem:$0x11000] =	vst v63  }
0x12f: {  	v4 =	vld [tilespmem:s25+$0xFFFFFF80];
	_ =	sdelay $0x4  }
0x130: {  	v5 =	vshll.u32 v4, $0x1  }
0x131: {  	v4 =	vand.u32 $0x7, v4;
	v5 =	vand.u32 $0xFFFFFFF0, v5  }
0x132: {  	v4 =	vor.u32 v4, v5  }
0x133: {  	v5 =	vperm.xlane v4, v1;
	_ =	sdelay $0x1  }
0x134: {  	v4 =	vperm.xlane v4, v3;
	v5 =	vadd.s32 v2, v5;
	_ =	sdelay $0x1  }
0x135: {  	v4 =	vadd.s32 v2, v4;
	_ =	sdelay $0x1  }
0x136: {  	s26 =	simm.s32 $0x8000  }
0x137: {  	[tilespmem:s26], [sflag:$0x1] =	stream.indirect_vreg.gather [hbm4b:s1+s5], $0x80, v5, vm0, $0xb8;
	[tilespmem:$0x11000] =	vst v63  }
0x138: {  	_ = 	snop  }
0x139: {  	[tilespmem:s28], [sflag:$0x1] =	stream.indirect_vreg.gather [hbm4b:s1+s5], $0x80, v4, vm0, $0xb8;
	[tilespmem:$0x11000] =	vst v63  }
.LBB2_6:
0x13a: {  	_ =	swait.ge [sflag:s23], $0x8000  }
0x13b: {  	[sflag:s23] =	ssyncset.done $0x0  }
.Ltmp4:
0x13c: {  	s26 =	sadd.s32 s24, s7;
	[sflag:s23] =	ssyncadd.s32 $0xFFFF8000;
	(pc) =	sbr.rel @p0 .LBB2_8-.Ltmp4, $4  }
0x13d: {  	[hbm4b:s26+s22] =	stream.strided.scatter [tilespmem:s29], [sflag:$0x3], $0x8000, s12, s22, $0x38;
	[tilespmem:$0x11000] =	vst v63  }
0x13e: {  	_ =	swait.ge [sflag:s11], $0x8000  }
0x13f: {  	[sflag:s11] =	ssyncset.done $0x0  }
0x140: {  	[sflag:s11] =	ssyncadd.s32 $0xFFFF8000  }
0x141: {  	v4 =	vld [tilespmem:s25+$0xFFFFFF90];
	_ =	sdelay $0x4  }
0x142: {  	v5 =	vshll.u32 v4, $0x1  }
0x143: {  	v4 =	vand.u32 $0x7, v4;
	v5 =	vand.u32 $0xFFFFFFF0, v5  }
0x144: {  	v4 =	vor.u32 v4, v5  }
0x145: {  	v5 =	vperm.xlane v4, v1;
	_ =	sdelay $0x1  }
0x146: {  	v4 =	vperm.xlane v4, v3;
	v5 =	vadd.s32 v2, v5;
	_ =	sdelay $0x1  }
0x147: {  	v4 =	vadd.s32 v2, v4;
	_ =	sdelay $0x2  }
0x148: {  	[tilespmem:s29], [sflag:$0x2] =	stream.indirect_vreg.gather [hbm4b:s1+s5], $0x80, v5, vm0, $0xb8;
	[tilespmem:$0x11000] =	vst v63  }
0x149: {  	_ = 	snop  }
0x14a: {  	[tilespmem:s30], [sflag:$0x2] =	stream.indirect_vreg.gather [hbm4b:s1+s5], $0x80, v4, vm0, $0xb8;
	[tilespmem:$0x11000] =	vst v63  }
0x14b: {  	v4 =	vld [tilespmem:s25+$0xFFFFFFA0];
	_ =	sdelay $0x4  }
0x14c: {  	v5 =	vshll.u32 v4, $0x1  }
0x14d: {  	v4 =	vand.u32 $0x7, v4;
	v5 =	vand.u32 $0xFFFFFFF0, v5  }
0x14e: {  	v4 =	vor.u32 v4, v5  }
0x14f: {  	v5 =	vperm.xlane v4, v1;
	_ =	sdelay $0x1  }
0x150: {  	v4 =	vperm.xlane v4, v3;
	v5 =	vadd.s32 v2, v5;
	_ =	sdelay $0x1  }
0x151: {  	v4 =	vadd.s32 v2, v4;
	_ =	sdelay $0x2  }
0x152: {  	[tilespmem:s31], [sflag:$0x2] =	stream.indirect_vreg.gather [hbm4b:s1+s5], $0x80, v5, vm0, $0xb8;
	[tilespmem:$0x11000] =	vst v63  }
0x153: {  	_ = 	snop  }
0x154: {  	[tilespmem:s0], [sflag:$0x2] =	stream.indirect_vreg.gather [hbm4b:s1+s5], $0x80, v4, vm0, $0xb8;
	[tilespmem:$0x11000] =	vst v63  }
0x155: {  	v4 =	vld [tilespmem:s25+$0xFFFFFFB0];
	_ =	sdelay $0x4  }
0x156: {  	v5 =	vshll.u32 v4, $0x1  }
0x157: {  	v4 =	vand.u32 $0x7, v4;
	v5 =	vand.u32 $0xFFFFFFF0, v5  }
0x158: {  	v4 =	vor.u32 v4, v5  }
0x159: {  	v5 =	vperm.xlane v4, v1;
	_ =	sdelay $0x1  }
0x15a: {  	v4 =	vperm.xlane v4, v3;
	v5 =	vadd.s32 v2, v5;
	_ =	sdelay $0x1  }
0x15b: {  	v4 =	vadd.s32 v2, v4;
	_ =	sdelay $0x2  }
0x15c: {  	[tilespmem:s4], [sflag:$0x2] =	stream.indirect_vreg.gather [hbm4b:s1+s5], $0x80, v5, vm0, $0xb8;
	[tilespmem:$0x11000] =	vst v63  }
0x15d: {  	_ = 	snop  }
0x15e: {  	[tilespmem:s2], [sflag:$0x2] =	stream.indirect_vreg.gather [hbm4b:s1+s5], $0x80, v4, vm0, $0xb8;
	[tilespmem:$0x11000] =	vst v63  }
0x15f: {  	v4 =	vld [tilespmem:s25+$0xFFFFFFC0];
	_ =	sdelay $0x4  }
0x160: {  	v5 =	vshll.u32 v4, $0x1  }
0x161: {  	v4 =	vand.u32 $0x7, v4;
	v5 =	vand.u32 $0xFFFFFFF0, v5  }
0x162: {  	v4 =	vor.u32 v4, v5  }
0x163: {  	v5 =	vperm.xlane v4, v1;
	_ =	sdelay $0x1  }
0x164: {  	v4 =	vperm.xlane v4, v3;
	v5 =	vadd.s32 v2, v5;
	_ =	sdelay $0x1  }
0x165: {  	v4 =	vadd.s32 v2, v4;
	_ =	sdelay $0x2  }
0x166: {  	[tilespmem:s3], [sflag:$0x2] =	stream.indirect_vreg.gather [hbm4b:s1+s5], $0x80, v5, vm0, $0xb8;
	[tilespmem:$0x11000] =	vst v63  }
0x167: {  	_ = 	snop  }
0x168: {  	[tilespmem:s6], [sflag:$0x2] =	stream.indirect_vreg.gather [hbm4b:s1+s5], $0x80, v4, vm0, $0xb8;
	[tilespmem:$0x11000] =	vst v63  }
0x169: {  	v4 =	vld [tilespmem:s25+$0xFFFFFFD0];
	_ =	sdelay $0x4  }
0x16a: {  	v5 =	vshll.u32 v4, $0x1  }
0x16b: {  	v4 =	vand.u32 $0x7, v4;
	v5 =	vand.u32 $0xFFFFFFF0, v5  }
0x16c: {  	v4 =	vor.u32 v4, v5  }
0x16d: {  	v5 =	vperm.xlane v4, v1;
	_ =	sdelay $0x1  }
0x16e: {  	v4 =	vperm.xlane v4, v3;
	v5 =	vadd.s32 v2, v5;
	_ =	sdelay $0x1  }
0x16f: {  	v4 =	vadd.s32 v2, v4;
	_ =	sdelay $0x2  }
0x170: {  	[tilespmem:s13], [sflag:$0x2] =	stream.indirect_vreg.gather [hbm4b:s1+s5], $0x80, v5, vm0, $0xb8;
	[tilespmem:$0x11000] =	vst v63  }
0x171: {  	_ = 	snop  }
0x172: {  	[tilespmem:s14], [sflag:$0x2] =	stream.indirect_vreg.gather [hbm4b:s1+s5], $0x80, v4, vm0, $0xb8;
	[tilespmem:$0x11000] =	vst v63  }
0x173: {  	v4 =	vld [tilespmem:s25+$0xFFFFFFE0];
	_ =	sdelay $0x4  }
0x174: {  	v5 =	vshll.u32 v4, $0x1  }
0x175: {  	v4 =	vand.u32 $0x7, v4;
	v5 =	vand.u32 $0xFFFFFFF0, v5  }
0x176: {  	v4 =	vor.u32 v4, v5  }
0x177: {  	v5 =	vperm.xlane v4, v1;
	_ =	sdelay $0x1  }
0x178: {  	v4 =	vperm.xlane v4, v3;
	v5 =	vadd.s32 v2, v5;
	_ =	sdelay $0x1  }
0x179: {  	v4 =	vadd.s32 v2, v4;
	_ =	sdelay $0x2  }
0x17a: {  	[tilespmem:s15], [sflag:$0x2] =	stream.indirect_vreg.gather [hbm4b:s1+s5], $0x80, v5, vm0, $0xb8;
	[tilespmem:$0x11000] =	vst v63  }
0x17b: {  	_ = 	snop  }
0x17c: {  	[tilespmem:s16], [sflag:$0x2] =	stream.indirect_vreg.gather [hbm4b:s1+s5], $0x80, v4, vm0, $0xb8;
	[tilespmem:$0x11000] =	vst v63  }
0x17d: {  	v4 =	vld [tilespmem:s25+$0xFFFFFFF0];
	_ =	sdelay $0x4  }
0x17e: {  	v5 =	vshll.u32 v4, $0x1  }
0x17f: {  	v4 =	vand.u32 $0x7, v4;
	v5 =	vand.u32 $0xFFFFFFF0, v5  }
0x180: {  	v4 =	vor.u32 v4, v5  }
0x181: {  	v5 =	vperm.xlane v4, v1;
	_ =	sdelay $0x1  }
0x182: {  	v4 =	vperm.xlane v4, v3;
	v5 =	vadd.s32 v2, v5;
	_ =	sdelay $0x1  }
0x183: {  	v4 =	vadd.s32 v2, v4;
	_ =	sdelay $0x2  }
0x184: {  	[tilespmem:s17], [sflag:$0x2] =	stream.indirect_vreg.gather [hbm4b:s1+s5], $0x80, v5, vm0, $0xb8;
	[tilespmem:$0x11000] =	vst v63  }
0x185: {  	_ = 	snop  }
0x186: {  	[tilespmem:s18], [sflag:$0x2] =	stream.indirect_vreg.gather [hbm4b:s1+s5], $0x80, v4, vm0, $0xb8;
	[tilespmem:$0x11000] =	vst v63  }
0x187: {  	v4 =	vld [tilespmem:s25+$0x0];
	_ =	sdelay $0x4  }
0x188: {  	v5 =	vshll.u32 v4, $0x1  }
0x189: {  	v4 =	vand.u32 $0x7, v4;
	v5 =	vand.u32 $0xFFFFFFF0, v5  }
0x18a: {  	v4 =	vor.u32 v4, v5  }
0x18b: {  	v5 =	vperm.xlane v4, v1;
	_ =	sdelay $0x1  }
0x18c: {  	v4 =	vperm.xlane v4, v3;
	v5 =	vadd.s32 v2, v5;
	_ =	sdelay $0x1  }
0x18d: {  	v4 =	vadd.s32 v2, v4  }
.Ltmp5:
0x18e: {  	_ = 	snop;
	(pc) =	sbr.rel .LBB2_4-.Ltmp5, $4  }
0x18f: {  	_ = 	snop  }
0x190: {  	[tilespmem:s19], [sflag:$0x2] =	stream.indirect_vreg.gather [hbm4b:s1+s5], $0x80, v5, vm0, $0xb8;
	[tilespmem:$0x11000] =	vst v63  }
0x191: {  	s24 =	sadd.s32 $0x4000, s24;
	s25 =	sadd.s32 $0x100, s25  }
0x192: {  	[tilespmem:s20], [sflag:$0x2] =	stream.indirect_vreg.gather [hbm4b:s1+s5], $0x80, v4, vm0, $0xb8;
	[tilespmem:$0x11000] =	vst v63  }
.LBB2_8:
0x193: {  	s24 =	simm.s32 $0x0;
	s25 =	rddreg [dreg:$0x2]  }
0x194: {  	[tilespmem:s24], [sflag:$0x3] =	stream.linear.gather [hbm4b:s25+s24], $0x1000, $0x38;
	[tilespmem:$0x11000] =	vst v63  }
0x195: {  	_ =	swait.ge [sflag:s11], $0x1000  }
0x196: {  	[sflag:s11] =	ssyncset.done $0x0  }
0x197: {  	s24 =	simm.s32 $0x0;
	[sflag:s11] =	ssyncadd.s32 $0xFFFFF000  }
0x198: {  	v6 =	vld [tilespmem:s24+$0x0]  }
0x199: {  	v8 =	vld [tilespmem:s24+$0x10]  }
0x19a: {  	v7 =	vld [tilespmem:s24+$0x20]  }
0x19b: {  	v5 =	vld [tilespmem:s24+$0x30]  }
0x19c: {  	v4 =	vld [tilespmem:s24+$0x40]  }
0x19d: {  	v9 =	vadd.s32 v0, v6;
	v6 =	vld [tilespmem:s24+$0x50]  }
0x19e: {  	s25 =	simm.s32 $0x200;
	[tilespmem:s24+$0x0] =	vst v9;
	v9 =	vadd.s32 v0, v8;
	v8 =	vld [tilespmem:s24+$0x60]  }
.LBB2_9:
0x19f: {  	s26 =	sshra.s32 s25, $0x2;
	p0 =	sne.s32 s25, $0x3E00;
	[tilespmem:s24+$0x10] =	vst v9;
	v7 =	vadd.s32 v0, v7;
	v9 =	vld [tilespmem:s24+$0x70]  }
0x1a0: {  	v10 =	vld [tilespmem:s26+$0x0];
	[tilespmem:s24+$0x20] =	vst v7;
	v5 =	vadd.s32 v0, v5  }
0x1a1: {  	v11 =	vld [tilespmem:s26+$0x10];
	[tilespmem:s24+$0x30] =	vst v5;
	v4 =	vadd.s32 v0, v4  }
.Ltmp6:
0x1a2: {  	v7 =	vld [tilespmem:s26+$0x20];
	[tilespmem:s24+$0x40] =	vst v4;
	v4 =	vadd.s32 v0, v6;
	(pc) =	sbr.rel @p0 .LBB2_9-.Ltmp6, $4  }
0x1a3: {  	v5 =	vld [tilespmem:s26+$0x30];
	[tilespmem:s24+$0x50] =	vst v4;
	v6 =	vadd.s32 v0, v8  }
0x1a4: {  	v4 =	vld [tilespmem:s26+$0x40];
	[tilespmem:s24+$0x60] =	vst v6;
	v8 =	vadd.s32 v0, v9  }
0x1a5: {  	v9 =	vadd.s32 v0, v10;
	v6 =	vld [tilespmem:s26+$0x50];
	[tilespmem:s24+$0x70] =	vst v8;
	s24 =	smov.u32 s26  }
0x1a6: {  	s25 =	sadd.s32 $0x200, s25;
	[tilespmem:s24+$0x0] =	vst v9;
	v9 =	vadd.s32 v0, v11;
	v8 =	vld [tilespmem:s24+$0x60]  }
0x1a7: {  	[tilespmem:s24+$0x10] =	vst v9;
	v7 =	vadd.s32 v0, v7;
	v63 =	vld [tilespmem:s24+$0x70]  }
0x1a8: {  	[tilespmem:s24+$0x20] =	vst v7;
	v5 =	vadd.s32 v0, v5  }
0x1a9: {  	[tilespmem:s24+$0x30] =	vst v5;
	v4 =	vadd.s32 v0, v4  }
0x1aa: {  	[tilespmem:s24+$0x40] =	vst v4;
	v4 =	vadd.s32 v0, v6  }
0x1ab: {  	[tilespmem:s24+$0x50] =	vst v4;
	v4 =	vadd.s32 v0, v8  }
0x1ac: {  	[tilespmem:s24+$0x60] =	vst v4;
	v4 =	vadd.s32 v0, v63  }
0x1ad: {  	[tilespmem:s24+$0x70] =	vst v4  }
0x1ae: {  	v4 =	vld [tilespmem:$0x0];
	_ =	sdelay $0x4  }
0x1af: {  	v5 =	vshll.u32 v4, $0x1  }
0x1b0: {  	v4 =	vand.u32 $0x7, v4;
	v5 =	vand.u32 $0xFFFFFFF0, v5  }
0x1b1: {  	v4 =	vor.u32 v4, v5  }
0x1b2: {  	v5 =	vperm.xlane v4, v1;
	_ =	sdelay $0x1  }
0x1b3: {  	v4 =	vperm.xlane v4, v3;
	v5 =	vadd.s32 v2, v5;
	_ =	sdelay $0x1  }
0x1b4: {  	v4 =	vadd.s32 v2, v4;
	_ =	sdelay $0x1  }
0x1b5: {  	s24 =	simm.s32 $0x0  }
0x1b6: {  	[tilespmem:s12], [sflag:$0x1] =	stream.indirect_vreg.gather [hbm4b:s1+s24], $0x80, v5, vm0, $0xb8;
	[tilespmem:$0x11000] =	vst v63  }
0x1b7: {  	s25 =	simm.s32 $0x1800  }
0x1b8: {  	[tilespmem:s25], [sflag:$0x1] =	stream.indirect_vreg.gather [hbm4b:s1+s24], $0x80, v4, vm0, $0xb8;
	[tilespmem:$0x11000] =	vst v63  }
0x1b9: {  	v4 =	vld [tilespmem:$0x10];
	_ =	sdelay $0x4  }
0x1ba: {  	v5 =	vshll.u32 v4, $0x1  }
0x1bb: {  	v4 =	vand.u32 $0x7, v4;
	v5 =	vand.u32 $0xFFFFFFF0, v5  }
0x1bc: {  	v4 =	vor.u32 v4, v5  }
0x1bd: {  	v5 =	vperm.xlane v4, v1;
	_ =	sdelay $0x1  }
0x1be: {  	v4 =	vperm.xlane v4, v3;
	v5 =	vadd.s32 v2, v5;
	_ =	sdelay $0x1  }
0x1bf: {  	v4 =	vadd.s32 v2, v4;
	_ =	sdelay $0x1  }
0x1c0: {  	s26 =	simm.s32 $0x2000  }
0x1c1: {  	[tilespmem:s26], [sflag:$0x1] =	stream.indirect_vreg.gather [hbm4b:s1+s24], $0x80, v5, vm0, $0xb8;
	[tilespmem:$0x11000] =	vst v63  }
0x1c2: {  	s26 =	simm.s32 $0x2800  }
0x1c3: {  	[tilespmem:s26], [sflag:$0x1] =	stream.indirect_vreg.gather [hbm4b:s1+s24], $0x80, v4, vm0, $0xb8;
	[tilespmem:$0x11000] =	vst v63  }
0x1c4: {  	v4 =	vld [tilespmem:$0x20];
	_ =	sdelay $0x4  }
0x1c5: {  	v5 =	vshll.u32 v4, $0x1  }
0x1c6: {  	v4 =	vand.u32 $0x7, v4;
	v5 =	vand.u32 $0xFFFFFFF0, v5  }
0x1c7: {  	v4 =	vor.u32 v4, v5  }
0x1c8: {  	v5 =	vperm.xlane v4, v1;
	_ =	sdelay $0x1  }
0x1c9: {  	v4 =	vperm.xlane v4, v3;
	v5 =	vadd.s32 v2, v5;
	_ =	sdelay $0x1  }
0x1ca: {  	v4 =	vadd.s32 v2, v4;
	_ =	sdelay $0x1  }
0x1cb: {  	s26 =	simm.s32 $0x3000  }
0x1cc: {  	[tilespmem:s26], [sflag:$0x1] =	stream.indirect_vreg.gather [hbm4b:s1+s24], $0x80, v5, vm0, $0xb8;
	[tilespmem:$0x11000] =	vst v63  }
0x1cd: {  	s26 =	simm.s32 $0x3800  }
0x1ce: {  	[tilespmem:s26], [sflag:$0x1] =	stream.indirect_vreg.gather [hbm4b:s1+s24], $0x80, v4, vm0, $0xb8;
	[tilespmem:$0x11000] =	vst v63  }
0x1cf: {  	v4 =	vld [tilespmem:$0x30];
	_ =	sdelay $0x4  }
0x1d0: {  	v5 =	vshll.u32 v4, $0x1  }
0x1d1: {  	v4 =	vand.u32 $0x7, v4;
	v5 =	vand.u32 $0xFFFFFFF0, v5  }
0x1d2: {  	v4 =	vor.u32 v4, v5  }
0x1d3: {  	v5 =	vperm.xlane v4, v1;
	_ =	sdelay $0x1  }
0x1d4: {  	v4 =	vperm.xlane v4, v3;
	v5 =	vadd.s32 v2, v5;
	_ =	sdelay $0x1  }
0x1d5: {  	v4 =	vadd.s32 v2, v4;
	_ =	sdelay $0x1  }
0x1d6: {  	s26 =	simm.s32 $0x4000  }
0x1d7: {  	[tilespmem:s26], [sflag:$0x1] =	stream.indirect_vreg.gather [hbm4b:s1+s24], $0x80, v5, vm0, $0xb8;
	[tilespmem:$0x11000] =	vst v63  }
0x1d8: {  	s26 =	simm.s32 $0x4800  }
0x1d9: {  	[tilespmem:s26], [sflag:$0x1] =	stream.indirect_vreg.gather [hbm4b:s1+s24], $0x80, v4, vm0, $0xb8;
	[tilespmem:$0x11000] =	vst v63  }
0x1da: {  	v4 =	vld [tilespmem:$0x40];
	_ =	sdelay $0x4  }
0x1db: {  	v5 =	vshll.u32 v4, $0x1  }
0x1dc: {  	v4 =	vand.u32 $0x7, v4;
	v5 =	vand.u32 $0xFFFFFFF0, v5  }
0x1dd: {  	v4 =	vor.u32 v4, v5  }
0x1de: {  	v5 =	vperm.xlane v4, v1;
	_ =	sdelay $0x1  }
0x1df: {  	v4 =	vperm.xlane v4, v3;
	v5 =	vadd.s32 v2, v5;
	_ =	sdelay $0x1  }
0x1e0: {  	v4 =	vadd.s32 v2, v4;
	_ =	sdelay $0x1  }
0x1e1: {  	s26 =	simm.s32 $0x5000  }
0x1e2: {  	[tilespmem:s26], [sflag:$0x1] =	stream.indirect_vreg.gather [hbm4b:s1+s24], $0x80, v5, vm0, $0xb8;
	[tilespmem:$0x11000] =	vst v63  }
0x1e3: {  	s26 =	simm.s32 $0x5800  }
0x1e4: {  	[tilespmem:s26], [sflag:$0x1] =	stream.indirect_vreg.gather [hbm4b:s1+s24], $0x80, v4, vm0, $0xb8;
	[tilespmem:$0x11000] =	vst v63  }
0x1e5: {  	v4 =	vld [tilespmem:$0x50];
	_ =	sdelay $0x4  }
0x1e6: {  	v5 =	vshll.u32 v4, $0x1  }
0x1e7: {  	v4 =	vand.u32 $0x7, v4;
	v5 =	vand.u32 $0xFFFFFFF0, v5  }
0x1e8: {  	v4 =	vor.u32 v4, v5  }
0x1e9: {  	v5 =	vperm.xlane v4, v1;
	_ =	sdelay $0x1  }
0x1ea: {  	v4 =	vperm.xlane v4, v3;
	v5 =	vadd.s32 v2, v5;
	_ =	sdelay $0x1  }
0x1eb: {  	v4 =	vadd.s32 v2, v4;
	_ =	sdelay $0x1  }
0x1ec: {  	s26 =	simm.s32 $0x6000  }
0x1ed: {  	[tilespmem:s26], [sflag:$0x1] =	stream.indirect_vreg.gather [hbm4b:s1+s24], $0x80, v5, vm0, $0xb8;
	[tilespmem:$0x11000] =	vst v63  }
0x1ee: {  	s26 =	simm.s32 $0x6800  }
0x1ef: {  	[tilespmem:s26], [sflag:$0x1] =	stream.indirect_vreg.gather [hbm4b:s1+s24], $0x80, v4, vm0, $0xb8;
	[tilespmem:$0x11000] =	vst v63  }
0x1f0: {  	v4 =	vld [tilespmem:$0x60];
	_ =	sdelay $0x4  }
0x1f1: {  	v5 =	vshll.u32 v4, $0x1  }
0x1f2: {  	v4 =	vand.u32 $0x7, v4;
	v5 =	vand.u32 $0xFFFFFFF0, v5  }
0x1f3: {  	v4 =	vor.u32 v4, v5  }
0x1f4: {  	v5 =	vperm.xlane v4, v1;
	_ =	sdelay $0x1  }
0x1f5: {  	v4 =	vperm.xlane v4, v3;
	v5 =	vadd.s32 v2, v5;
	_ =	sdelay $0x1  }
0x1f6: {  	v4 =	vadd.s32 v2, v4;
	_ =	sdelay $0x1  }
0x1f7: {  	s26 =	simm.s32 $0x7000  }
0x1f8: {  	[tilespmem:s26], [sflag:$0x1] =	stream.indirect_vreg.gather [hbm4b:s1+s24], $0x80, v5, vm0, $0xb8;
	[tilespmem:$0x11000] =	vst v63  }
0x1f9: {  	s26 =	simm.s32 $0x7800  }
0x1fa: {  	[tilespmem:s26], [sflag:$0x1] =	stream.indirect_vreg.gather [hbm4b:s1+s24], $0x80, v4, vm0, $0xb8;
	[tilespmem:$0x11000] =	vst v63  }
0x1fb: {  	v4 =	vld [tilespmem:$0x70];
	_ =	sdelay $0x4  }
0x1fc: {  	v5 =	vshll.u32 v4, $0x1  }
0x1fd: {  	v4 =	vand.u32 $0x7, v4;
	v5 =	vand.u32 $0xFFFFFFF0, v5  }
0x1fe: {  	v4 =	vor.u32 v4, v5  }
0x1ff: {  	v5 =	vperm.xlane v4, v1;
	_ =	sdelay $0x1  }
0x200: {  	v4 =	vperm.xlane v4, v3;
	v5 =	vadd.s32 v2, v5;
	_ =	sdelay $0x1  }
0x201: {  	v4 =	vadd.s32 v2, v4;
	_ =	sdelay $0x1  }
0x202: {  	s26 =	simm.s32 $0x8000  }
0x203: {  	[tilespmem:s26], [sflag:$0x1] =	stream.indirect_vreg.gather [hbm4b:s1+s24], $0x80, v5, vm0, $0xb8;
	[tilespmem:$0x11000] =	vst v63  }
0x204: {  	_ = 	snop  }
0x205: {  	[tilespmem:s28], [sflag:$0x1] =	stream.indirect_vreg.gather [hbm4b:s1+s24], $0x80, v4, vm0, $0xb8;
	[tilespmem:$0x11000] =	vst v63  }
0x206: {  	v4 =	vld [tilespmem:$0x80];
	_ =	sdelay $0x4  }
0x207: {  	v5 =	vshll.u32 v4, $0x1  }
0x208: {  	v4 =	vand.u32 $0x7, v4;
	v5 =	vand.u32 $0xFFFFFFF0, v5  }
0x209: {  	v4 =	vor.u32 v4, v5  }
0x20a: {  	v5 =	vperm.xlane v4, v1;
	_ =	sdelay $0x1  }
0x20b: {  	v4 =	vperm.xlane v4, v3;
	v5 =	vadd.s32 v2, v5;
	_ =	sdelay $0x1  }
0x20c: {  	v4 =	vadd.s32 v2, v4;
	_ =	sdelay $0x2  }
0x20d: {  	[tilespmem:s29], [sflag:$0x2] =	stream.indirect_vreg.gather [hbm4b:s1+s24], $0x80, v5, vm0, $0xb8;
	[tilespmem:$0x11000] =	vst v63  }
0x20e: {  	_ = 	snop  }
0x20f: {  	[tilespmem:s30], [sflag:$0x2] =	stream.indirect_vreg.gather [hbm4b:s1+s24], $0x80, v4, vm0, $0xb8;
	[tilespmem:$0x11000] =	vst v63  }
0x210: {  	v4 =	vld [tilespmem:$0x90];
	_ =	sdelay $0x4  }
0x211: {  	v5 =	vshll.u32 v4, $0x1  }
0x212: {  	v4 =	vand.u32 $0x7, v4;
	v5 =	vand.u32 $0xFFFFFFF0, v5  }
0x213: {  	v4 =	vor.u32 v4, v5  }
0x214: {  	v5 =	vperm.xlane v4, v1;
	_ =	sdelay $0x1  }
0x215: {  	v4 =	vperm.xlane v4, v3;
	v5 =	vadd.s32 v2, v5;
	_ =	sdelay $0x1  }
0x216: {  	v4 =	vadd.s32 v2, v4;
	_ =	sdelay $0x2  }
0x217: {  	[tilespmem:s31], [sflag:$0x2] =	stream.indirect_vreg.gather [hbm4b:s1+s24], $0x80, v5, vm0, $0xb8;
	[tilespmem:$0x11000] =	vst v63  }
0x218: {  	_ = 	snop  }
0x219: {  	[tilespmem:s0], [sflag:$0x2] =	stream.indirect_vreg.gather [hbm4b:s1+s24], $0x80, v4, vm0, $0xb8;
	[tilespmem:$0x11000] =	vst v63  }
0x21a: {  	v4 =	vld [tilespmem:$0xA0];
	_ =	sdelay $0x4  }
0x21b: {  	v5 =	vshll.u32 v4, $0x1  }
0x21c: {  	v4 =	vand.u32 $0x7, v4;
	v5 =	vand.u32 $0xFFFFFFF0, v5  }
0x21d: {  	v4 =	vor.u32 v4, v5  }
0x21e: {  	v5 =	vperm.xlane v4, v1;
	_ =	sdelay $0x1  }
0x21f: {  	v4 =	vperm.xlane v4, v3;
	v5 =	vadd.s32 v2, v5;
	_ =	sdelay $0x1  }
0x220: {  	v4 =	vadd.s32 v2, v4;
	_ =	sdelay $0x2  }
0x221: {  	[tilespmem:s4], [sflag:$0x2] =	stream.indirect_vreg.gather [hbm4b:s1+s24], $0x80, v5, vm0, $0xb8;
	[tilespmem:$0x11000] =	vst v63  }
0x222: {  	_ = 	snop  }
0x223: {  	[tilespmem:s2], [sflag:$0x2] =	stream.indirect_vreg.gather [hbm4b:s1+s24], $0x80, v4, vm0, $0xb8;
	[tilespmem:$0x11000] =	vst v63  }
0x224: {  	v4 =	vld [tilespmem:$0xB0];
	_ =	sdelay $0x4  }
0x225: {  	v5 =	vshll.u32 v4, $0x1  }
0x226: {  	v4 =	vand.u32 $0x7, v4;
	v5 =	vand.u32 $0xFFFFFFF0, v5  }
0x227: {  	v4 =	vor.u32 v4, v5  }
0x228: {  	v5 =	vperm.xlane v4, v1;
	_ =	sdelay $0x1  }
0x229: {  	v4 =	vperm.xlane v4, v3;
	v5 =	vadd.s32 v2, v5;
	_ =	sdelay $0x1  }
0x22a: {  	v4 =	vadd.s32 v2, v4;
	_ =	sdelay $0x2  }
0x22b: {  	[tilespmem:s3], [sflag:$0x2] =	stream.indirect_vreg.gather [hbm4b:s1+s24], $0x80, v5, vm0, $0xb8;
	[tilespmem:$0x11000] =	vst v63  }
0x22c: {  	_ = 	snop  }
0x22d: {  	[tilespmem:s6], [sflag:$0x2] =	stream.indirect_vreg.gather [hbm4b:s1+s24], $0x80, v4, vm0, $0xb8;
	[tilespmem:$0x11000] =	vst v63  }
0x22e: {  	v4 =	vld [tilespmem:$0xC0];
	_ =	sdelay $0x4  }
0x22f: {  	v5 =	vshll.u32 v4, $0x1  }
0x230: {  	v4 =	vand.u32 $0x7, v4;
	v5 =	vand.u32 $0xFFFFFFF0, v5  }
0x231: {  	v4 =	vor.u32 v4, v5  }
0x232: {  	v5 =	vperm.xlane v4, v1;
	_ =	sdelay $0x1  }
0x233: {  	v4 =	vperm.xlane v4, v3;
	v5 =	vadd.s32 v2, v5;
	_ =	sdelay $0x1  }
0x234: {  	v4 =	vadd.s32 v2, v4;
	_ =	sdelay $0x2  }
0x235: {  	[tilespmem:s13], [sflag:$0x2] =	stream.indirect_vreg.gather [hbm4b:s1+s24], $0x80, v5, vm0, $0xb8;
	[tilespmem:$0x11000] =	vst v63  }
0x236: {  	_ = 	snop  }
0x237: {  	[tilespmem:s14], [sflag:$0x2] =	stream.indirect_vreg.gather [hbm4b:s1+s24], $0x80, v4, vm0, $0xb8;
	[tilespmem:$0x11000] =	vst v63  }
0x238: {  	v4 =	vld [tilespmem:$0xD0];
	_ =	sdelay $0x4  }
0x239: {  	v5 =	vshll.u32 v4, $0x1  }
0x23a: {  	v4 =	vand.u32 $0x7, v4;
	v5 =	vand.u32 $0xFFFFFFF0, v5  }
0x23b: {  	v4 =	vor.u32 v4, v5  }
0x23c: {  	v5 =	vperm.xlane v4, v1;
	_ =	sdelay $0x1  }
0x23d: {  	v4 =	vperm.xlane v4, v3;
	v5 =	vadd.s32 v2, v5;
	_ =	sdelay $0x1  }
0x23e: {  	v4 =	vadd.s32 v2, v4;
	_ =	sdelay $0x2  }
0x23f: {  	[tilespmem:s15], [sflag:$0x2] =	stream.indirect_vreg.gather [hbm4b:s1+s24], $0x80, v5, vm0, $0xb8;
	[tilespmem:$0x11000] =	vst v63  }
0x240: {  	_ = 	snop  }
0x241: {  	[tilespmem:s16], [sflag:$0x2] =	stream.indirect_vreg.gather [hbm4b:s1+s24], $0x80, v4, vm0, $0xb8;
	[tilespmem:$0x11000] =	vst v63  }
0x242: {  	v4 =	vld [tilespmem:$0xE0];
	_ =	sdelay $0x4  }
0x243: {  	v5 =	vshll.u32 v4, $0x1  }
0x244: {  	v4 =	vand.u32 $0x7, v4;
	v5 =	vand.u32 $0xFFFFFFF0, v5  }
0x245: {  	v4 =	vor.u32 v4, v5  }
0x246: {  	v5 =	vperm.xlane v4, v1;
	_ =	sdelay $0x1  }
0x247: {  	v4 =	vperm.xlane v4, v3;
	v5 =	vadd.s32 v2, v5;
	_ =	sdelay $0x1  }
0x248: {  	v4 =	vadd.s32 v2, v4;
	_ =	sdelay $0x2  }
0x249: {  	[tilespmem:s17], [sflag:$0x2] =	stream.indirect_vreg.gather [hbm4b:s1+s24], $0x80, v5, vm0, $0xb8;
	[tilespmem:$0x11000] =	vst v63  }
0x24a: {  	_ = 	snop  }
0x24b: {  	[tilespmem:s18], [sflag:$0x2] =	stream.indirect_vreg.gather [hbm4b:s1+s24], $0x80, v4, vm0, $0xb8;
	[tilespmem:$0x11000] =	vst v63  }
0x24c: {  	v4 =	vld [tilespmem:$0xF0];
	_ =	sdelay $0x4  }
0x24d: {  	v5 =	vshll.u32 v4, $0x1  }
0x24e: {  	v4 =	vand.u32 $0x7, v4;
	v5 =	vand.u32 $0xFFFFFFF0, v5  }
0x24f: {  	v4 =	vor.u32 v4, v5  }
0x250: {  	v5 =	vperm.xlane v4, v1;
	_ =	sdelay $0x1  }
0x251: {  	v4 =	vperm.xlane v4, v3;
	v5 =	vadd.s32 v2, v5;
	_ =	sdelay $0x1  }
0x252: {  	v4 =	vadd.s32 v2, v4;
	_ =	sdelay $0x2  }
0x253: {  	[tilespmem:s19], [sflag:$0x2] =	stream.indirect_vreg.gather [hbm4b:s1+s24], $0x80, v5, vm0, $0xb8;
	[tilespmem:$0x11000] =	vst v63  }
0x254: {  	s25 =	simm.s32 $0x1F0  }
0x255: {  	[tilespmem:s20], [sflag:$0x2] =	stream.indirect_vreg.gather [hbm4b:s1+s24], $0x80, v4, vm0, $0xb8;
	[tilespmem:$0x11000] =	vst v63  }
.LBB2_11:
0x256: {  	_ =	swait.ge [sflag:s21], $0x8000  }
0x257: {  	p0 =	seq.s32 s24, $0x3C000;
	[sflag:s21] =	ssyncset.done $0x0  }
.Ltmp7:
0x258: {  	s26 =	sadd.s32 s24, s10;
	[sflag:s21] =	ssyncadd.s32 $0xFFFF8000;
	(pc) =	sbr.rel @p0 .LBB2_13-.Ltmp7, $4  }
0x259: {  	[hbm4b:s26+s22] =	stream.strided.scatter [tilespmem:s12], [sflag:$0x3], $0x8000, s12, s22, $0x38;
	[tilespmem:$0x11000] =	vst v63  }
0x25a: {  	_ =	swait.ge [sflag:s11], $0x8000  }
0x25b: {  	[sflag:s11] =	ssyncset.done $0x0  }
0x25c: {  	[sflag:s11] =	ssyncadd.s32 $0xFFFF8000  }
0x25d: {  	v4 =	vld [tilespmem:s25+$0xFFFFFF10];
	_ =	sdelay $0x4  }
0x25e: {  	v5 =	vshll.u32 v4, $0x1  }
0x25f: {  	v4 =	vand.u32 $0x7, v4;
	v5 =	vand.u32 $0xFFFFFFF0, v5  }
0x260: {  	v4 =	vor.u32 v4, v5  }
0x261: {  	v5 =	vperm.xlane v4, v1;
	_ =	sdelay $0x1  }
0x262: {  	v4 =	vperm.xlane v4, v3;
	v5 =	vadd.s32 v2, v5;
	_ =	sdelay $0x1  }
0x263: {  	v4 =	vadd.s32 v2, v4;
	_ =	sdelay $0x2  }
0x264: {  	[tilespmem:s12], [sflag:$0x1] =	stream.indirect_vreg.gather [hbm4b:s1+s5], $0x80, v5, vm0, $0xb8;
	[tilespmem:$0x11000] =	vst v63  }
0x265: {  	s26 =	simm.s32 $0x1800  }
0x266: {  	[tilespmem:s26], [sflag:$0x1] =	stream.indirect_vreg.gather [hbm4b:s1+s5], $0x80, v4, vm0, $0xb8;
	[tilespmem:$0x11000] =	vst v63  }
0x267: {  	v4 =	vld [tilespmem:s25+$0xFFFFFF20];
	_ =	sdelay $0x4  }
0x268: {  	v5 =	vshll.u32 v4, $0x1  }
0x269: {  	v4 =	vand.u32 $0x7, v4;
	v5 =	vand.u32 $0xFFFFFFF0, v5  }
0x26a: {  	v4 =	vor.u32 v4, v5  }
0x26b: {  	v5 =	vperm.xlane v4, v1;
	_ =	sdelay $0x1  }
0x26c: {  	v4 =	vperm.xlane v4, v3;
	v5 =	vadd.s32 v2, v5;
	_ =	sdelay $0x1  }
0x26d: {  	v4 =	vadd.s32 v2, v4;
	_ =	sdelay $0x1  }
0x26e: {  	s26 =	simm.s32 $0x2000  }
0x26f: {  	[tilespmem:s26], [sflag:$0x1] =	stream.indirect_vreg.gather [hbm4b:s1+s5], $0x80, v5, vm0, $0xb8;
	[tilespmem:$0x11000] =	vst v63  }
0x270: {  	s26 =	simm.s32 $0x2800  }
0x271: {  	[tilespmem:s26], [sflag:$0x1] =	stream.indirect_vreg.gather [hbm4b:s1+s5], $0x80, v4, vm0, $0xb8;
	[tilespmem:$0x11000] =	vst v63  }
0x272: {  	v4 =	vld [tilespmem:s25+$0xFFFFFF30];
	_ =	sdelay $0x4  }
0x273: {  	v5 =	vshll.u32 v4, $0x1  }
0x274: {  	v4 =	vand.u32 $0x7, v4;
	v5 =	vand.u32 $0xFFFFFFF0, v5  }
0x275: {  	v4 =	vor.u32 v4, v5  }
0x276: {  	v5 =	vperm.xlane v4, v1;
	_ =	sdelay $0x1  }
0x277: {  	v4 =	vperm.xlane v4, v3;
	v5 =	vadd.s32 v2, v5;
	_ =	sdelay $0x1  }
0x278: {  	v4 =	vadd.s32 v2, v4;
	_ =	sdelay $0x1  }
0x279: {  	s26 =	simm.s32 $0x3000  }
0x27a: {  	[tilespmem:s26], [sflag:$0x1] =	stream.indirect_vreg.gather [hbm4b:s1+s5], $0x80, v5, vm0, $0xb8;
	[tilespmem:$0x11000] =	vst v63  }
0x27b: {  	s26 =	simm.s32 $0x3800  }
0x27c: {  	[tilespmem:s26], [sflag:$0x1] =	stream.indirect_vreg.gather [hbm4b:s1+s5], $0x80, v4, vm0, $0xb8;
	[tilespmem:$0x11000] =	vst v63  }
0x27d: {  	v4 =	vld [tilespmem:s25+$0xFFFFFF40];
	_ =	sdelay $0x4  }
0x27e: {  	v5 =	vshll.u32 v4, $0x1  }
0x27f: {  	v4 =	vand.u32 $0x7, v4;
	v5 =	vand.u32 $0xFFFFFFF0, v5  }
0x280: {  	v4 =	vor.u32 v4, v5  }
0x281: {  	v5 =	vperm.xlane v4, v1;
	_ =	sdelay $0x1  }
0x282: {  	v4 =	vperm.xlane v4, v3;
	v5 =	vadd.s32 v2, v5;
	_ =	sdelay $0x1  }
0x283: {  	v4 =	vadd.s32 v2, v4;
	_ =	sdelay $0x1  }
0x284: {  	s26 =	simm.s32 $0x4000  }
0x285: {  	[tilespmem:s26], [sflag:$0x1] =	stream.indirect_vreg.gather [hbm4b:s1+s5], $0x80, v5, vm0, $0xb8;
	[tilespmem:$0x11000] =	vst v63  }
0x286: {  	s26 =	simm.s32 $0x4800  }
0x287: {  	[tilespmem:s26], [sflag:$0x1] =	stream.indirect_vreg.gather [hbm4b:s1+s5], $0x80, v4, vm0, $0xb8;
	[tilespmem:$0x11000] =	vst v63  }
0x288: {  	v4 =	vld [tilespmem:s25+$0xFFFFFF50];
	_ =	sdelay $0x4  }
0x289: {  	v5 =	vshll.u32 v4, $0x1  }
0x28a: {  	v4 =	vand.u32 $0x7, v4;
	v5 =	vand.u32 $0xFFFFFFF0, v5  }
0x28b: {  	v4 =	vor.u32 v4, v5  }
0x28c: {  	v5 =	vperm.xlane v4, v1;
	_ =	sdelay $0x1  }
0x28d: {  	v4 =	vperm.xlane v4, v3;
	v5 =	vadd.s32 v2, v5;
	_ =	sdelay $0x1  }
0x28e: {  	v4 =	vadd.s32 v2, v4;
	_ =	sdelay $0x1  }
0x28f: {  	s26 =	simm.s32 $0x5000  }
0x290: {  	[tilespmem:s26], [sflag:$0x1] =	stream.indirect_vreg.gather [hbm4b:s1+s5], $0x80, v5, vm0, $0xb8;
	[tilespmem:$0x11000] =	vst v63  }
0x291: {  	s26 =	simm.s32 $0x5800  }
0x292: {  	[tilespmem:s26], [sflag:$0x1] =	stream.indirect_vreg.gather [hbm4b:s1+s5], $0x80, v4, vm0, $0xb8;
	[tilespmem:$0x11000] =	vst v63  }
0x293: {  	v4 =	vld [tilespmem:s25+$0xFFFFFF60];
	_ =	sdelay $0x4  }
0x294: {  	v5 =	vshll.u32 v4, $0x1  }
0x295: {  	v4 =	vand.u32 $0x7, v4;
	v5 =	vand.u32 $0xFFFFFFF0, v5  }
0x296: {  	v4 =	vor.u32 v4, v5  }
0x297: {  	v5 =	vperm.xlane v4, v1;
	_ =	sdelay $0x1  }
0x298: {  	v4 =	vperm.xlane v4, v3;
	v5 =	vadd.s32 v2, v5;
	_ =	sdelay $0x1  }
0x299: {  	v4 =	vadd.s32 v2, v4;
	_ =	sdelay $0x1  }
0x29a: {  	s26 =	simm.s32 $0x6000  }
0x29b: {  	[tilespmem:s26], [sflag:$0x1] =	stream.indirect_vreg.gather [hbm4b:s1+s5], $0x80, v5, vm0, $0xb8;
	[tilespmem:$0x11000] =	vst v63  }
0x29c: {  	s26 =	simm.s32 $0x6800  }
0x29d: {  	[tilespmem:s26], [sflag:$0x1] =	stream.indirect_vreg.gather [hbm4b:s1+s5], $0x80, v4, vm0, $0xb8;
	[tilespmem:$0x11000] =	vst v63  }
0x29e: {  	v4 =	vld [tilespmem:s25+$0xFFFFFF70];
	_ =	sdelay $0x4  }
0x29f: {  	v5 =	vshll.u32 v4, $0x1  }
0x2a0: {  	v4 =	vand.u32 $0x7, v4;
	v5 =	vand.u32 $0xFFFFFFF0, v5  }
0x2a1: {  	v4 =	vor.u32 v4, v5  }
0x2a2: {  	v5 =	vperm.xlane v4, v1;
	_ =	sdelay $0x1  }
0x2a3: {  	v4 =	vperm.xlane v4, v3;
	v5 =	vadd.s32 v2, v5;
	_ =	sdelay $0x1  }
0x2a4: {  	v4 =	vadd.s32 v2, v4;
	_ =	sdelay $0x1  }
0x2a5: {  	s26 =	simm.s32 $0x7000  }
0x2a6: {  	[tilespmem:s26], [sflag:$0x1] =	stream.indirect_vreg.gather [hbm4b:s1+s5], $0x80, v5, vm0, $0xb8;
	[tilespmem:$0x11000] =	vst v63  }
0x2a7: {  	s26 =	simm.s32 $0x7800  }
0x2a8: {  	[tilespmem:s26], [sflag:$0x1] =	stream.indirect_vreg.gather [hbm4b:s1+s5], $0x80, v4, vm0, $0xb8;
	[tilespmem:$0x11000] =	vst v63  }
0x2a9: {  	v4 =	vld [tilespmem:s25+$0xFFFFFF80];
	_ =	sdelay $0x4  }
0x2aa: {  	v5 =	vshll.u32 v4, $0x1  }
0x2ab: {  	v4 =	vand.u32 $0x7, v4;
	v5 =	vand.u32 $0xFFFFFFF0, v5  }
0x2ac: {  	v4 =	vor.u32 v4, v5  }
0x2ad: {  	v5 =	vperm.xlane v4, v1;
	_ =	sdelay $0x1  }
0x2ae: {  	v4 =	vperm.xlane v4, v3;
	v5 =	vadd.s32 v2, v5;
	_ =	sdelay $0x1  }
0x2af: {  	v4 =	vadd.s32 v2, v4;
	_ =	sdelay $0x1  }
0x2b0: {  	s26 =	simm.s32 $0x8000  }
0x2b1: {  	[tilespmem:s26], [sflag:$0x1] =	stream.indirect_vreg.gather [hbm4b:s1+s5], $0x80, v5, vm0, $0xb8;
	[tilespmem:$0x11000] =	vst v63  }
0x2b2: {  	_ = 	snop  }
0x2b3: {  	[tilespmem:s28], [sflag:$0x1] =	stream.indirect_vreg.gather [hbm4b:s1+s5], $0x80, v4, vm0, $0xb8;
	[tilespmem:$0x11000] =	vst v63  }
.LBB2_13:
0x2b4: {  	_ =	swait.ge [sflag:s23], $0x8000  }
0x2b5: {  	[sflag:s23] =	ssyncset.done $0x0  }
.Ltmp8:
0x2b6: {  	s26 =	sadd.s32 s24, s9;
	[sflag:s23] =	ssyncadd.s32 $0xFFFF8000;
	(pc) =	sbr.rel @p0 .LBB2_15-.Ltmp8, $4  }
0x2b7: {  	[hbm4b:s26+s22] =	stream.strided.scatter [tilespmem:s29], [sflag:$0x3], $0x8000, s12, s22, $0x38;
	[tilespmem:$0x11000] =	vst v63  }
0x2b8: {  	_ =	swait.ge [sflag:s11], $0x8000  }
0x2b9: {  	[sflag:s11] =	ssyncset.done $0x0  }
0x2ba: {  	[sflag:s11] =	ssyncadd.s32 $0xFFFF8000  }
0x2bb: {  	v4 =	vld [tilespmem:s25+$0xFFFFFF90];
	_ =	sdelay $0x4  }
0x2bc: {  	v5 =	vshll.u32 v4, $0x1  }
0x2bd: {  	v4 =	vand.u32 $0x7, v4;
	v5 =	vand.u32 $0xFFFFFFF0, v5  }
0x2be: {  	v4 =	vor.u32 v4, v5  }
0x2bf: {  	v5 =	vperm.xlane v4, v1;
	_ =	sdelay $0x1  }
0x2c0: {  	v4 =	vperm.xlane v4, v3;
	v5 =	vadd.s32 v2, v5;
	_ =	sdelay $0x1  }
0x2c1: {  	v4 =	vadd.s32 v2, v4;
	_ =	sdelay $0x2  }
0x2c2: {  	[tilespmem:s29], [sflag:$0x2] =	stream.indirect_vreg.gather [hbm4b:s1+s5], $0x80, v5, vm0, $0xb8;
	[tilespmem:$0x11000] =	vst v63  }
0x2c3: {  	_ = 	snop  }
0x2c4: {  	[tilespmem:s30], [sflag:$0x2] =	stream.indirect_vreg.gather [hbm4b:s1+s5], $0x80, v4, vm0, $0xb8;
	[tilespmem:$0x11000] =	vst v63  }
0x2c5: {  	v4 =	vld [tilespmem:s25+$0xFFFFFFA0];
	_ =	sdelay $0x4  }
0x2c6: {  	v5 =	vshll.u32 v4, $0x1  }
0x2c7: {  	v4 =	vand.u32 $0x7, v4;
	v5 =	vand.u32 $0xFFFFFFF0, v5  }
0x2c8: {  	v4 =	vor.u32 v4, v5  }
0x2c9: {  	v5 =	vperm.xlane v4, v1;
	_ =	sdelay $0x1  }
0x2ca: {  	v4 =	vperm.xlane v4, v3;
	v5 =	vadd.s32 v2, v5;
	_ =	sdelay $0x1  }
0x2cb: {  	v4 =	vadd.s32 v2, v4;
	_ =	sdelay $0x2  }
0x2cc: {  	[tilespmem:s31], [sflag:$0x2] =	stream.indirect_vreg.gather [hbm4b:s1+s5], $0x80, v5, vm0, $0xb8;
	[tilespmem:$0x11000] =	vst v63  }
0x2cd: {  	_ = 	snop  }
0x2ce: {  	[tilespmem:s0], [sflag:$0x2] =	stream.indirect_vreg.gather [hbm4b:s1+s5], $0x80, v4, vm0, $0xb8;
	[tilespmem:$0x11000] =	vst v63  }
0x2cf: {  	v4 =	vld [tilespmem:s25+$0xFFFFFFB0];
	_ =	sdelay $0x4  }
0x2d0: {  	v5 =	vshll.u32 v4, $0x1  }
0x2d1: {  	v4 =	vand.u32 $0x7, v4;
	v5 =	vand.u32 $0xFFFFFFF0, v5  }
0x2d2: {  	v4 =	vor.u32 v4, v5  }
0x2d3: {  	v5 =	vperm.xlane v4, v1;
	_ =	sdelay $0x1  }
0x2d4: {  	v4 =	vperm.xlane v4, v3;
	v5 =	vadd.s32 v2, v5;
	_ =	sdelay $0x1  }
0x2d5: {  	v4 =	vadd.s32 v2, v4;
	_ =	sdelay $0x2  }
0x2d6: {  	[tilespmem:s4], [sflag:$0x2] =	stream.indirect_vreg.gather [hbm4b:s1+s5], $0x80, v5, vm0, $0xb8;
	[tilespmem:$0x11000] =	vst v63  }
0x2d7: {  	_ = 	snop  }
0x2d8: {  	[tilespmem:s2], [sflag:$0x2] =	stream.indirect_vreg.gather [hbm4b:s1+s5], $0x80, v4, vm0, $0xb8;
	[tilespmem:$0x11000] =	vst v63  }
0x2d9: {  	v4 =	vld [tilespmem:s25+$0xFFFFFFC0];
	_ =	sdelay $0x4  }
0x2da: {  	v5 =	vshll.u32 v4, $0x1  }
0x2db: {  	v4 =	vand.u32 $0x7, v4;
	v5 =	vand.u32 $0xFFFFFFF0, v5  }
0x2dc: {  	v4 =	vor.u32 v4, v5  }
0x2dd: {  	v5 =	vperm.xlane v4, v1;
	_ =	sdelay $0x1  }
0x2de: {  	v4 =	vperm.xlane v4, v3;
	v5 =	vadd.s32 v2, v5;
	_ =	sdelay $0x1  }
0x2df: {  	v4 =	vadd.s32 v2, v4;
	_ =	sdelay $0x2  }
0x2e0: {  	[tilespmem:s3], [sflag:$0x2] =	stream.indirect_vreg.gather [hbm4b:s1+s5], $0x80, v5, vm0, $0xb8;
	[tilespmem:$0x11000] =	vst v63  }
0x2e1: {  	_ = 	snop  }
0x2e2: {  	[tilespmem:s6], [sflag:$0x2] =	stream.indirect_vreg.gather [hbm4b:s1+s5], $0x80, v4, vm0, $0xb8;
	[tilespmem:$0x11000] =	vst v63  }
0x2e3: {  	v4 =	vld [tilespmem:s25+$0xFFFFFFD0];
	_ =	sdelay $0x4  }
0x2e4: {  	v5 =	vshll.u32 v4, $0x1  }
0x2e5: {  	v4 =	vand.u32 $0x7, v4;
	v5 =	vand.u32 $0xFFFFFFF0, v5  }
0x2e6: {  	v4 =	vor.u32 v4, v5  }
0x2e7: {  	v5 =	vperm.xlane v4, v1;
	_ =	sdelay $0x1  }
0x2e8: {  	v4 =	vperm.xlane v4, v3;
	v5 =	vadd.s32 v2, v5;
	_ =	sdelay $0x1  }
0x2e9: {  	v4 =	vadd.s32 v2, v4;
	_ =	sdelay $0x2  }
0x2ea: {  	[tilespmem:s13], [sflag:$0x2] =	stream.indirect_vreg.gather [hbm4b:s1+s5], $0x80, v5, vm0, $0xb8;
	[tilespmem:$0x11000] =	vst v63  }
0x2eb: {  	_ = 	snop  }
0x2ec: {  	[tilespmem:s14], [sflag:$0x2] =	stream.indirect_vreg.gather [hbm4b:s1+s5], $0x80, v4, vm0, $0xb8;
	[tilespmem:$0x11000] =	vst v63  }
0x2ed: {  	v4 =	vld [tilespmem:s25+$0xFFFFFFE0];
	_ =	sdelay $0x4  }
0x2ee: {  	v5 =	vshll.u32 v4, $0x1  }
0x2ef: {  	v4 =	vand.u32 $0x7, v4;
	v5 =	vand.u32 $0xFFFFFFF0, v5  }
0x2f0: {  	v4 =	vor.u32 v4, v5  }
0x2f1: {  	v5 =	vperm.xlane v4, v1;
	_ =	sdelay $0x1  }
0x2f2: {  	v4 =	vperm.xlane v4, v3;
	v5 =	vadd.s32 v2, v5;
	_ =	sdelay $0x1  }
0x2f3: {  	v4 =	vadd.s32 v2, v4;
	_ =	sdelay $0x2  }
0x2f4: {  	[tilespmem:s15], [sflag:$0x2] =	stream.indirect_vreg.gather [hbm4b:s1+s5], $0x80, v5, vm0, $0xb8;
	[tilespmem:$0x11000] =	vst v63  }
0x2f5: {  	_ = 	snop  }
0x2f6: {  	[tilespmem:s16], [sflag:$0x2] =	stream.indirect_vreg.gather [hbm4b:s1+s5], $0x80, v4, vm0, $0xb8;
	[tilespmem:$0x11000] =	vst v63  }
0x2f7: {  	v4 =	vld [tilespmem:s25+$0xFFFFFFF0];
	_ =	sdelay $0x4  }
0x2f8: {  	v5 =	vshll.u32 v4, $0x1  }
0x2f9: {  	v4 =	vand.u32 $0x7, v4;
	v5 =	vand.u32 $0xFFFFFFF0, v5  }
0x2fa: {  	v4 =	vor.u32 v4, v5  }
0x2fb: {  	v5 =	vperm.xlane v4, v1;
	_ =	sdelay $0x1  }
0x2fc: {  	v4 =	vperm.xlane v4, v3;
	v5 =	vadd.s32 v2, v5;
	_ =	sdelay $0x1  }
0x2fd: {  	v4 =	vadd.s32 v2, v4;
	_ =	sdelay $0x2  }
0x2fe: {  	[tilespmem:s17], [sflag:$0x2] =	stream.indirect_vreg.gather [hbm4b:s1+s5], $0x80, v5, vm0, $0xb8;
	[tilespmem:$0x11000] =	vst v63  }
0x2ff: {  	_ = 	snop  }
0x300: {  	[tilespmem:s18], [sflag:$0x2] =	stream.indirect_vreg.gather [hbm4b:s1+s5], $0x80, v4, vm0, $0xb8;
	[tilespmem:$0x11000] =	vst v63  }
0x301: {  	v4 =	vld [tilespmem:s25+$0x0];
	_ =	sdelay $0x4  }
0x302: {  	v5 =	vshll.u32 v4, $0x1  }
0x303: {  	v4 =	vand.u32 $0x7, v4;
	v5 =	vand.u32 $0xFFFFFFF0, v5  }
0x304: {  	v4 =	vor.u32 v4, v5  }
0x305: {  	v5 =	vperm.xlane v4, v1;
	_ =	sdelay $0x1  }
0x306: {  	v4 =	vperm.xlane v4, v3;
	v5 =	vadd.s32 v2, v5;
	_ =	sdelay $0x1  }
0x307: {  	v4 =	vadd.s32 v2, v4  }
.Ltmp9:
0x308: {  	_ = 	snop;
	(pc) =	sbr.rel .LBB2_11-.Ltmp9, $4  }
0x309: {  	_ = 	snop  }
0x30a: {  	[tilespmem:s19], [sflag:$0x2] =	stream.indirect_vreg.gather [hbm4b:s1+s5], $0x80, v5, vm0, $0xb8;
	[tilespmem:$0x11000] =	vst v63  }
0x30b: {  	s24 =	sadd.s32 $0x4000, s24;
	s25 =	sadd.s32 $0x100, s25  }
0x30c: {  	[tilespmem:s20], [sflag:$0x2] =	stream.indirect_vreg.gather [hbm4b:s1+s5], $0x80, v4, vm0, $0xb8;
	[tilespmem:$0x11000] =	vst v63  }
.LBB2_16:
0x30d: {  	_ =	sfence.sel $0x180000  }
0x30e: {  	[bflag:$0x0] =	sbarrier.arrive $0xFFFF  }
0x30f: {  	_ =	strace $0x90000047  }
0x310: {  	s0 =	stileid.u32;
	[bflag:$0x2] =	sbarrier.arrive $0xFFFF  }
0x311: {  	p0 =	sne.s32 s0, $0x0;
	s0 =	rddreg [dreg:$0x4]  }
0x312: {  	s0 =	sadd.s32 @!p0 $0x100000, s0  }
0x313: {  	[sflag:s0] =	ssyncadd.tile.s32 @!p0 $0x1;
	_ =	shalt  }
.Lfunc_end2:
_tile_overlayer_lowered:
.L_overlay_start_2:
0x314: {  	(tag) =	ssettag $0x2  }
0x315: {  	s0 =	rddreg [dreg:$0x0];
	s2 =	stileid.u32  }
0x316: {  	s1 =	rddreg [dreg:$0x1];
	p0 =	sne.s32 s2, $0x0  }
0x317: {  	s3 =	rddreg [dreg:$0x2];
	[bflag:$0x3] =	sbarrier.arrive $0xFFFF;
	s2 =	simm.s32 @!p0 $0x1C03  }
0x318: {  	[timem:s3], [sflag:s2] =	dma.local @!p0 [hbm:s0], s1  }
0x319: {  	s0 =	simm.s32 @!p0 $0x3  }
0x31a: {  	_ =	swait.ge @!p0 [sflag:s0], s1  }
0x31b: {  	s1 =	ssub.s32 @!p0 $0x0, s1;
	[sflag:s0] =	ssyncset.done @!p0 $0x0  }
0x31c: {  	[sflag:s0] =	ssyncadd.s32 @!p0 s1  }
0x31d: {  	[bflag:$0x3] =	sbarrier.arrive $0xFFFF  }
0x31e: {  	_ =	shalt  }

</sc_bundles>
